<compile_context>
chip_gen: v7x
topology: tpu7x:2x2x1
jax: 0.10.2.dev20260603
libtpu: 0.0.44.dev20260713+nightly
codegen_flags: <defaults>
</compile_context>

<pallas_src>
import functools

import jax
import jax.numpy as jnp
from jax import lax
from jax.experimental import pallas as pl
from jax.experimental.pallas import tpu as pltpu
from jax.experimental.pallas import tpu_sc as plsc

N = 10000
E = 320000
IN_DIM = 128
HID = 64
ALIGN = 32
NUM_CLASSES = 7

NC = 2
NS = 16
NW = NC * NS
CH = 128
NCHUNK = E // CH
BASE = NCHUNK // NW
EXTRA = NCHUNK - BASE * NW
CMAX = BASE + 1
SROWS = 10240
RPT = SROWS // NS

BR = 2048
GRID = (N + BR - 1) // BR

_mesh = plsc.VectorSubcoreMesh(core_axis_name="c", subcore_axis_name="s")
_sc_params = pltpu.CompilerParams(use_tc_tiling_on_sc=False)


def _worker_bounds(cid, sid):
    w = cid * NS + sid
    row_start = w * BASE + jnp.minimum(w, EXTRA)
    ncap = BASE + jnp.where(w < EXTRA, 1, 0)
    return w, row_start, ncap


def _dst_slab(dst_hbm, dst_v, row_start, w):
    pltpu.sync_copy(dst_hbm.at[pl.ds(row_start * CH, BASE * CH)],
                    dst_v.at[pl.ds(0, BASE * CH)])

    @pl.when(w < EXTRA)
    def _():
        pltpu.sync_copy(dst_hbm.at[pl.ds((row_start + BASE) * CH, CH)],
                        dst_v.at[pl.ds(BASE * CH, CH)])


@functools.partial(
    pl.kernel,
    out_type=jax.ShapeDtypeStruct((NC, SROWS, 8), jnp.float32),
    mesh=_mesh,
    scratch_types=[
        pltpu.VMEM((CMAX * CH,), jnp.int32),
        pltpu.VMEM((CH, 8), jnp.float32),
        pltpu.SemaphoreType.DMA,
        pltpu.VMEM_SHARED((SROWS, 8), jnp.float32),
    ],
    compiler_params=_sc_params,
)
def _deg_kernel(ei_hbm, zeros_hbm, ones_hbm, deg_out, dst_v, ones_v, sem,
                acc_sh):
    cid = lax.axis_index("c")
    sid = lax.axis_index("s")
    w, row_start, ncap = _worker_bounds(cid, sid)
    _dst_slab(ei_hbm.at[1], dst_v, row_start, w)
    pltpu.sync_copy(ones_hbm, ones_v)

    pltpu.sync_copy(zeros_hbm, acc_sh.at[pl.ds(sid * RPT, RPT)])
    plsc.subcore_barrier()

    def chunk(j, _):
        pltpu.async_copy(ones_v, acc_sh.at[dst_v.at[pl.ds(j * CH, CH)]],
                         sem, add=True)

        @pl.when(j >= 4)
        def _():
            pltpu.make_async_copy(
                ones_v, acc_sh.at[dst_v.at[pl.ds(0, CH)]], sem).wait()

        return ()

    lax.fori_loop(0, ncap, chunk, ())
    for _ in range(4):
        pltpu.make_async_copy(
            ones_v, acc_sh.at[dst_v.at[pl.ds(0, CH)]], sem).wait()
    plsc.subcore_barrier()
    pltpu.sync_copy(acc_sh.at[pl.ds(sid * RPT, RPT)],
                    deg_out.at[cid, pl.ds(sid * RPT, RPT)])


@functools.partial(
    pl.kernel,
    out_type=jax.ShapeDtypeStruct((NC, SROWS, HID), jnp.float32),
    mesh=_mesh,
    scratch_types=[
        pltpu.VMEM((CMAX * CH,), jnp.int32),
        pltpu.VMEM((CMAX * CH,), jnp.int32),
        pltpu.VMEM((CH, HID), jnp.float32),
        pltpu.VMEM((CH, HID), jnp.float32),
        pltpu.VMEM((CH, HID), jnp.float32),
        pltpu.SemaphoreType.DMA,
        pltpu.SemaphoreType.DMA,
        pltpu.SemaphoreType.DMA,
        pltpu.SemaphoreType.DMA,
        pltpu.SemaphoreType.DMA,
        pltpu.SemaphoreType.DMA,
        pltpu.VMEM_SHARED((SROWS, HID), jnp.float32),
        pltpu.VMEM_SHARED((SROWS, HID), jnp.float32),
    ],
    compiler_params=_sc_params,
)
def _msg_kernel(ei_hbm, y_hbm, zeros_hbm, s_out,
                src_v, dst_v, buf0, buf1, buf2,
                gsem0, gsem1, gsem2, ssem0, ssem1, ssem2, acc_sh, y_sh):
    cid = lax.axis_index("c")
    sid = lax.axis_index("s")
    w, row_start, ncap = _worker_bounds(cid, sid)
    src_hbm = ei_hbm.at[0]
    pltpu.sync_copy(src_hbm.at[pl.ds(row_start * CH, BASE * CH)],
                    src_v.at[pl.ds(0, BASE * CH)])

    @pl.when(w < EXTRA)
    def _():
        pltpu.sync_copy(src_hbm.at[pl.ds((row_start + BASE) * CH, CH)],
                        src_v.at[pl.ds(BASE * CH, CH)])

    _dst_slab(ei_hbm.at[1], dst_v, row_start, w)

    pltpu.sync_copy(y_hbm.at[pl.ds(sid * RPT, RPT)],
                    y_sh.at[pl.ds(sid * RPT, RPT)])
    pltpu.sync_copy(zeros_hbm, acc_sh.at[pl.ds(sid * RPT, RPT)])
    plsc.subcore_barrier()

    def src_idx(j):
        return src_v.at[pl.ds(j * CH, CH)]

    def dst_idx(j):
        return dst_v.at[pl.ds(j * CH, CH)]

    bufs = (buf0, buf1, buf2)
    gsems = (gsem0, gsem1, gsem2)
    ssems = (ssem0, ssem1, ssem2)

    pltpu.async_copy(y_sh.at[src_idx(0)], buf0, gsem0)
    pltpu.async_copy(y_sh.at[src_idx(1)], buf1, gsem1)

    def trip(i, _):
        j0 = i * 3
        for b in range(3):
            j = j0 + b
            buf, gsem, ssem = bufs[b], gsems[b], ssems[b]
            b2 = (b + 2) % 3
            pltpu.make_async_copy(y_sh.at[src_idx(j)], buf, gsem).wait()
            if b == 0:
                @pl.when(i >= 1)
                def _():
                    pltpu.make_async_copy(
                        bufs[b2], acc_sh.at[dst_idx(j)], ssems[b2]).wait()
            else:
                pltpu.make_async_copy(
                    bufs[b2], acc_sh.at[dst_idx(j)], ssems[b2]).wait()
            pltpu.async_copy(buf, acc_sh.at[dst_idx(j)], ssem, add=True)

            @pl.when(j + 2 < ncap)
            def _():
                pltpu.async_copy(y_sh.at[src_idx(j + 2)], bufs[b2], gsems[b2])

        return ()

    lax.fori_loop(0, BASE // 3, trip, ())

    pltpu.make_async_copy(buf2, acc_sh.at[dst_idx(BASE - 1)], ssem2).wait()

    @pl.when(ncap > BASE)
    def _():
        pltpu.make_async_copy(y_sh.at[src_idx(BASE)], bufs[BASE % 3],
                              gsems[BASE % 3]).wait()
        pltpu.sync_copy(bufs[BASE % 3], acc_sh.at[dst_idx(BASE)], add=True)

    plsc.subcore_barrier()
    pltpu.sync_copy(acc_sh.at[pl.ds(sid * RPT, RPT)],
                    s_out.at[cid, pl.ds(sid * RPT, RPT)])


def _proj_body(x_ref, wg_ref, wps_ref, bps_ref, xw_ref, zsem_ref):
    x = x_ref[...]
    xw_ref[...] = jnp.dot(x, wg_ref[...], preferred_element_type=jnp.float32)
    zsem_ref[...] = (
        jnp.dot(x, wps_ref[...], preferred_element_type=jnp.float32)
        + bps_ref[...]
    )


def _proj(x, W_gcn, W_ps, b_ps):
    return pl.pallas_call(
        _proj_body,
        grid=(GRID,),
        in_specs=[
            pl.BlockSpec((BR, IN_DIM), lambda i: (i, 0)),
            pl.BlockSpec((IN_DIM, HID), lambda i: (0, 0)),
            pl.BlockSpec((IN_DIM, ALIGN), lambda i: (0, 0)),
            pl.BlockSpec((1, ALIGN), lambda i: (0, 0)),
        ],
        out_specs=[
            pl.BlockSpec((BR, HID), lambda i: (i, 0)),
            pl.BlockSpec((BR, ALIGN), lambda i: (i, 0)),
        ],
        out_shape=[
            jax.ShapeDtypeStruct((N, HID), jnp.float32),
            jax.ShapeDtypeStruct((N, ALIGN), jnp.float32),
        ],
    )(x, W_gcn, W_ps, b_ps)


def _scale_body(dp_ref, xw_ref, y_ref, dinv_ref):
    deg = dp_ref[0, :, 0:1] + dp_ref[1, :, 0:1] + 1.0
    dinv = lax.rsqrt(deg)
    y_ref[...] = dinv * xw_ref[...]
    dinv_ref[...] = jnp.broadcast_to(dinv, dinv_ref.shape)


def _scale(deg_parts, xw):
    return pl.pallas_call(
        _scale_body,
        grid=(GRID,),
        in_specs=[
            pl.BlockSpec((2, BR, 8), lambda i: (0, i, 0)),
            pl.BlockSpec((BR, HID), lambda i: (i, 0)),
        ],
        out_specs=[
            pl.BlockSpec((BR, HID), lambda i: (i, 0)),
            pl.BlockSpec((BR, 16), lambda i: (i, 0)),
        ],
        out_shape=[
            jax.ShapeDtypeStruct((SROWS, HID), jnp.float32),
            jax.ShapeDtypeStruct((N, 16), jnp.float32),
        ],
    )(deg_parts, xw)


def _head_body(s_ref, y_ref, dinv_ref, zsem_ref, bg_ref, wpt_ref, bpt_ref,
               wcls_ref, bcls_ref, logits_ref, an_ref, ztopo_ref):
    dinv = dinv_ref[:, 0:1]
    s_tot = s_ref[0] + s_ref[1] + y_ref[...]
    h = jnp.maximum(dinv * s_tot + bg_ref[...], 0.0)
    z_topo = (
        jnp.dot(h, wpt_ref[...], preferred_element_type=jnp.float32)
        + bpt_ref[...]
    )
    logits_ref[...] = (
        jnp.dot(z_topo, wcls_ref[...], preferred_element_type=jnp.float32)
        + bcls_ref[...]
    )
    diff = z_topo - zsem_ref[...]
    an_ref[...] = jnp.sqrt(jnp.sum(diff * diff, axis=1))
    ztopo_ref[...] = z_topo


def _heads(s_parts, y, dinv, z_sem, b_gcn, W_pt, b_pt, W_cls, b_cls):
    return pl.pallas_call(
        _head_body,
        grid=(GRID,),
        in_specs=[
            pl.BlockSpec((2, BR, HID), lambda i: (0, i, 0)),
            pl.BlockSpec((BR, HID), lambda i: (i, 0)),
            pl.BlockSpec((BR, 16), lambda i: (i, 0)),
            pl.BlockSpec((BR, ALIGN), lambda i: (i, 0)),
            pl.BlockSpec((1, HID), lambda i: (0, 0)),
            pl.BlockSpec((HID, ALIGN), lambda i: (0, 0)),
            pl.BlockSpec((1, ALIGN), lambda i: (0, 0)),
            pl.BlockSpec((ALIGN, NUM_CLASSES), lambda i: (0, 0)),
            pl.BlockSpec((1, NUM_CLASSES), lambda i: (0, 0)),
        ],
        out_specs=[
            pl.BlockSpec((BR, NUM_CLASSES), lambda i: (i, 0)),
            pl.BlockSpec((BR,), lambda i: (i,)),
            pl.BlockSpec((BR, ALIGN), lambda i: (i, 0)),
        ],
        out_shape=[
            jax.ShapeDtypeStruct((N, NUM_CLASSES), jnp.float32),
            jax.ShapeDtypeStruct((N,), jnp.float32),
            jax.ShapeDtypeStruct((N, ALIGN), jnp.float32),
        ],
    )(s_parts, y, dinv, z_sem, b_gcn, W_pt, b_pt, W_cls, b_cls)


def kernel(x, edge_index, W_gcn, b_gcn, W_pt, b_pt, W_ps, b_ps, W_cls, b_cls):

    zeros16 = jnp.zeros((RPT, 8), jnp.float32)
    zeros64 = jnp.zeros((RPT, HID), jnp.float32)
    ones16 = jnp.ones((CH, 8), jnp.float32)

    deg_parts = _deg_kernel(edge_index, zeros16, ones16)
    xw, z_sem = _proj(x, W_gcn, W_ps, b_ps.reshape(1, ALIGN))
    y, dinv = _scale(deg_parts, xw)
    s_parts = _msg_kernel(edge_index, y, zeros64)
    logits, anomaly, z_topo = _heads(
        s_parts, y, dinv, z_sem, b_gcn.reshape(1, HID), W_pt,
        b_pt.reshape(1, ALIGN), W_cls, b_cls.reshape(1, NUM_CLASSES))
    return (logits, anomaly, z_topo, z_sem)

# --- scband reference (transcript-rebuilt; emitter-appended) ---
"""Pipeline reference for scband-node-anomaly-aware-model-7103875908246 (READ-ONLY COPY).

The authoritative reference and input builder live on the scoring server;
editing this copy changes nothing except your own understanding.
"""

import jax, jax.numpy as jnp
import numpy as np

N = 10000
E = 320000
IN_DIM = 128
HID = 64
ALIGN = 32
NUM_CLASSES = 7


def setup_inputs(seed: int = 0) -> dict:
    key = jax.random.key(seed)
    ks = jax.random.split(key, 10)
    x = jax.random.normal(ks[0], (N, IN_DIM), dtype=jnp.float32)
    edge_index = jax.random.randint(ks[1], (2, E), 0, N, dtype=jnp.int32)
    W_gcn = jax.random.normal(ks[2], (IN_DIM, HID), dtype=jnp.float32) * (1.0 / np.sqrt(IN_DIM))
    b_gcn = jnp.zeros((HID,), dtype=jnp.float32)
    W_pt = jax.random.normal(ks[3], (HID, ALIGN), dtype=jnp.float32) * (1.0 / np.sqrt(HID))
    b_pt = jnp.zeros((ALIGN,), dtype=jnp.float32)
    W_ps = jax.random.normal(ks[4], (IN_DIM, ALIGN), dtype=jnp.float32) * (1.0 / np.sqrt(IN_DIM))
    b_ps = jnp.zeros((ALIGN,), dtype=jnp.float32)
    W_cls = jax.random.normal(ks[5], (ALIGN, NUM_CLASSES), dtype=jnp.float32) * (1.0 / np.sqrt(ALIGN))
    b_cls = jnp.zeros((NUM_CLASSES,), dtype=jnp.float32)
    return {"x": x, "edge_index": edge_index, "W_gcn": W_gcn, "b_gcn": b_gcn,
            "W_pt": W_pt, "b_pt": b_pt, "W_ps": W_ps, "b_ps": b_ps,
            "W_cls": W_cls, "b_cls": b_cls}


def gcn_conv(x, edge_index, W, b):
    # GCNConv: D^{-1/2} (A + I) D^{-1/2} X W + b (symmetric norm, self-loops)
    n = x.shape[0]
    loop = jnp.arange(n, dtype=edge_index.dtype)
    src = jnp.concatenate([edge_index[0], loop])
    dst = jnp.concatenate([edge_index[1], loop])
    deg = jnp.zeros((n,), dtype=x.dtype).at[dst].add(1.0)
    dinv = jnp.where(deg > 0, jax.lax.rsqrt(deg), 0.0)
    norm = dinv[src] * dinv[dst]
    xw = x @ W
    msg = jnp.take(xw, src, axis=0) * norm[:, None]
    out = jnp.zeros((n, W.shape[1]), dtype=x.dtype).at[dst].add(msg)
    return out + b


def reference(x, edge_index, W_gcn, b_gcn, W_pt, b_pt, W_ps, b_ps, W_cls, b_cls):
    h_topo = jax.nn.relu(gcn_conv(x, edge_index, W_gcn, b_gcn))
    z_topo = h_topo @ W_pt + b_pt
    z_sem = x @ W_ps + b_ps
    logits = z_topo @ W_cls + b_cls
    diff = z_topo - z_sem
    anomaly_scores = jnp.sqrt(jnp.sum(diff * diff, axis=-1))
    return (logits, anomaly_scores, z_topo, z_sem)

if __name__ == "__main__":
    import jax
    _d = setup_inputs()
    print(jax.jit(kernel)(*tuple(_d.values())))

</pallas_src>

<mosaic_0001>
#map = affine_map<(d0, d1) -> (0, 0)>
#map1 = affine_map<(d0, d1) -> (0, 0, 0)>
module attributes {stable_mosaic.version = 14 : i64} {
  func.func @_msg_kernel(%arg0: i32, %arg1: i32, %arg2: memref<2x320000xi32, #tpu.memory_space<hbm>>, %arg3: memref<10240x64xf32, #tpu.memory_space<hbm>>, %arg4: memref<640x64xf32, #tpu.memory_space<hbm>>, %arg5: memref<2x10240x64xf32, #tpu.memory_space<hbm>>, %arg6: memref<10112xi32, #tpu.memory_space<vmem>>, %arg7: memref<10112xi32, #tpu.memory_space<vmem>>, %arg8: memref<128x64xf32, #tpu.memory_space<vmem>>, %arg9: memref<128x64xf32, #tpu.memory_space<vmem>>, %arg10: memref<128x64xf32, #tpu.memory_space<vmem>>, %arg11: memref<!tpu.dma_semaphore, #tpu.memory_space<semaphore_mem>>, %arg12: memref<!tpu.dma_semaphore, #tpu.memory_space<semaphore_mem>>, %arg13: memref<!tpu.dma_semaphore, #tpu.memory_space<semaphore_mem>>, %arg14: memref<!tpu.dma_semaphore, #tpu.memory_space<semaphore_mem>>, %arg15: memref<!tpu.dma_semaphore, #tpu.memory_space<semaphore_mem>>, %arg16: memref<!tpu.dma_semaphore, #tpu.memory_space<semaphore_mem>>, %arg17: memref<10240x64xf32, #tpu.memory_space<vmem_shared>>, %arg18: memref<10240x64xf32, #tpu.memory_space<vmem_shared>>) attributes {dimension_semantics = [#tpu.dimension_semantics<core_parallel>, #tpu.dimension_semantics<subcore_parallel>], iteration_bounds = array<i64: 2, 16>, scalar_prefetch = 0 : i64, scratch_operands = 13 : i64, tpu.core_type = #tpu.core_type<sc_vector_subcore>, window_params = [{transform_indices = #map}, {transform_indices = #map}, {transform_indices = #map}, {transform_indices = #map1}]} {
    %mul3A = arith.constant 16 : i32
    %mul3A_0 = arith.muli %arg0, %mul3A : i32
    %add3A = arith.addi %mul3A_0, %arg1 : i32
    %mul3A_1 = arith.constant 78 : i32
    %mul3A_2 = arith.muli %add3A, %mul3A_1 : i32
    %min3A = arith.constant 4 : i32
    %min3A_3 = arith.minsi %add3A, %min3A : i32
    %add3A_4 = arith.addi %mul3A_2, %min3A_3 : i32
    %lt3A = arith.constant 4 : i32
    %lt3A_5 = arith.cmpi slt, %add3A, %lt3A : i32
    %jit3A = arith.constant 1 : i32
    %jit3A_6 = arith.constant 0 : i32
    %select_n3A = arith.select %lt3A_5, %jit3A, %jit3A_6 : i32
    %add3A_7 = arith.constant 78 : i32
    %add3A_8 = arith.addi %add3A_7, %select_n3A : i32
    %mul3A_9 = arith.constant 128 : i32
    %mul3A_10 = arith.muli %add3A_4, %mul3A_9 : i32
    %run_scoped3A = arith.constant 0 : i32
    "tpu.region"() ({
      %run_scoped3A_56 = tpu.sem_alloc : memref<!tpu.dma_semaphore, #tpu.memory_space<semaphore_mem>>
      %dma_start3A_57 = arith.constant 0 : i32
      %dma_start3A_58 = tpu.memref_slice %arg6[%dma_start3A_57] : memref<10112xi32, #tpu.memory_space<vmem>> -> memref<9984xi32, #tpu.memory_space<vmem>>
      %dma_start3A_59 = arith.constant 0 : i32
      %dma_start3A_60 = tpu.memref_slice %arg2[%run_scoped3A, %dma_start3A_59] : memref<2x320000xi32, #tpu.memory_space<hbm>> -> memref<1x320000xi32, #tpu.memory_space<hbm>>
      %dma_start3A_61 = tpu.memref_squeeze %dma_start3A_60 : memref<1x320000xi32, #tpu.memory_space<hbm>> -> memref<320000xi32, #tpu.memory_space<hbm>>
      %dma_start3A_62 = tpu.memref_slice %dma_start3A_61[%mul3A_10] : memref<320000xi32, #tpu.memory_space<hbm>> -> memref<9984xi32, #tpu.memory_space<hbm>>
      %dma_start3A_63 = arith.constant 0 : i32
      %dma_start3A_64 = tpu.memref_slice %arg6[%dma_start3A_63] : memref<10112xi32, #tpu.memory_space<vmem>> -> memref<9984xi32, #tpu.memory_space<vmem>>
      %dma_start3A_65 = arith.constant 0 : i32
      %dma_start3A_66 = tpu.memref_slice %arg2[%run_scoped3A, %dma_start3A_65] : memref<2x320000xi32, #tpu.memory_space<hbm>> -> memref<1x320000xi32, #tpu.memory_space<hbm>>
      %dma_start3A_67 = tpu.memref_squeeze %dma_start3A_66 : memref<1x320000xi32, #tpu.memory_space<hbm>> -> memref<320000xi32, #tpu.memory_space<hbm>>
      %dma_start3A_68 = tpu.memref_slice %dma_start3A_67[%mul3A_10] : memref<320000xi32, #tpu.memory_space<hbm>> -> memref<9984xi32, #tpu.memory_space<hbm>>
      tpu.enqueue_dma source(%dma_start3A_68 : memref<9984xi32, #tpu.memory_space<hbm>>) target(%dma_start3A_64 : memref<9984xi32, #tpu.memory_space<vmem>>) target_semaphore(%run_scoped3A_56 : memref<!tpu.dma_semaphore, #tpu.memory_space<semaphore_mem>>)
      %dma_wait3A_69 = arith.constant 0 : i32
      %dma_wait3A_70 = tpu.memref_slice %arg6[%dma_wait3A_69] : memref<10112xi32, #tpu.memory_space<vmem>> -> memref<9984xi32, #tpu.memory_space<vmem>>
      %dma_wait3A_71 = arith.constant 0 : i32
      %dma_wait3A_72 = tpu.memref_slice %arg2[%run_scoped3A, %dma_wait3A_71] : memref<2x320000xi32, #tpu.memory_space<hbm>> -> memref<1x320000xi32, #tpu.memory_space<hbm>>
      %dma_wait3A_73 = tpu.memref_squeeze %dma_wait3A_72 : memref<1x320000xi32, #tpu.memory_space<hbm>> -> memref<320000xi32, #tpu.memory_space<hbm>>
      %dma_wait3A_74 = tpu.memref_slice %dma_wait3A_73[%mul3A_10] : memref<320000xi32, #tpu.memory_space<hbm>> -> memref<9984xi32, #tpu.memory_space<hbm>>
      %dma_wait3A_75 = arith.constant 0 : i32
      %dma_wait3A_76 = tpu.memref_slice %arg6[%dma_wait3A_75] : memref<10112xi32, #tpu.memory_space<vmem>> -> memref<9984xi32, #tpu.memory_space<vmem>>
      %dma_wait3A_77 = arith.constant 0 : i32
      %dma_wait3A_78 = tpu.memref_slice %arg2[%run_scoped3A, %dma_wait3A_77] : memref<2x320000xi32, #tpu.memory_space<hbm>> -> memref<1x320000xi32, #tpu.memory_space<hbm>>
      %dma_wait3A_79 = tpu.memref_squeeze %dma_wait3A_78 : memref<1x320000xi32, #tpu.memory_space<hbm>> -> memref<320000xi32, #tpu.memory_space<hbm>>
      %dma_wait3A_80 = tpu.memref_slice %dma_wait3A_79[%mul3A_10] : memref<320000xi32, #tpu.memory_space<hbm>> -> memref<9984xi32, #tpu.memory_space<hbm>>
      tpu.wait_dma2 semaphore(%run_scoped3A_56 : memref<!tpu.dma_semaphore, #tpu.memory_space<semaphore_mem>>) src(%dma_wait3A_80 : memref<9984xi32, #tpu.memory_space<hbm>>) dst(%dma_wait3A_76 : memref<9984xi32, #tpu.memory_space<vmem>>)
      tpu.yield
    }) : () -> ()
    %lt3A_11 = arith.constant 4 : i32
    %lt3A_12 = arith.cmpi slt, %add3A, %lt3A_11 : i32
    %convert_element_type3A = arith.extui %lt3A_12 : i1 to i32
    %cond3A = arith.constant 0 : i32
    %cond3A_13 = arith.constant 0 : i32
    %cond3A_14 = arith.cmpi ne, %convert_element_type3A, %cond3A_13 : i32
    scf.if %cond3A_14 {
      %add3A_56 = arith.constant 78 : i32
      %add3A_57 = arith.addi %add3A_4, %add3A_56 : i32
      %mul3A_58 = arith.constant 128 : i32
      %mul3A_59 = arith.muli %add3A_57, %mul3A_58 : i32
      "tpu.region"() ({
        %run_scoped3A_60 = tpu.sem_alloc : memref<!tpu.dma_semaphore, #tpu.memory_space<semaphore_mem>>
        %dma_start3A_61 = arith.constant 9984 : i32
        %dma_start3A_62 = tpu.memref_slice %arg6[%dma_start3A_61] : memref<10112xi32, #tpu.memory_space<vmem>> -> memref<128xi32, #tpu.memory_space<vmem>>
        %dma_start3A_63 = arith.constant 0 : i32
        %dma_start3A_64 = tpu.memref_slice %arg2[%cond3A, %dma_start3A_63] : memref<2x320000xi32, #tpu.memory_space<hbm>> -> memref<1x320000xi32, #tpu.memory_space<hbm>>
        %dma_start3A_65 = tpu.memref_squeeze %dma_start3A_64 : memref<1x320000xi32, #tpu.memory_space<hbm>> -> memref<320000xi32, #tpu.memory_space<hbm>>
        %dma_start3A_66 = tpu.memref_slice %dma_start3A_65[%mul3A_59] : memref<320000xi32, #tpu.memory_space<hbm>> -> memref<128xi32, #tpu.memory_space<hbm>>
        %dma_start3A_67 = arith.constant 9984 : i32
        %dma_start3A_68 = tpu.memref_slice %arg6[%dma_start3A_67] : memref<10112xi32, #tpu.memory_space<vmem>> -> memref<128xi32, #tpu.memory_space<vmem>>
        %dma_start3A_69 = arith.constant 0 : i32
        %dma_start3A_70 = tpu.memref_slice %arg2[%cond3A, %dma_start3A_69] : memref<2x320000xi32, #tpu.memory_space<hbm>> -> memref<1x320000xi32, #tpu.memory_space<hbm>>
        %dma_start3A_71 = tpu.memref_squeeze %dma_start3A_70 : memref<1x320000xi32, #tpu.memory_space<hbm>> -> memref<320000xi32, #tpu.memory_space<hbm>>
        %dma_start3A_72 = tpu.memref_slice %dma_start3A_71[%mul3A_59] : memref<320000xi32, #tpu.memory_space<hbm>> -> memref<128xi32, #tpu.memory_space<hbm>>
        tpu.enqueue_dma source(%dma_start3A_72 : memref<128xi32, #tpu.memory_space<hbm>>) target(%dma_start3A_68 : memref<128xi32, #tpu.memory_space<vmem>>) target_semaphore(%run_scoped3A_60 : memref<!tpu.dma_semaphore, #tpu.memory_space<semaphore_mem>>)
        %dma_wait3A_73 = arith.constant 9984 : i32
        %dma_wait3A_74 = tpu.memref_slice %arg6[%dma_wait3A_73] : memref<10112xi32, #tpu.memory_space<vmem>> -> memref<128xi32, #tpu.memory_space<vmem>>
        %dma_wait3A_75 = arith.constant 0 : i32
        %dma_wait3A_76 = tpu.memref_slice %arg2[%cond3A, %dma_wait3A_75] : memref<2x320000xi32, #tpu.memory_space<hbm>> -> memref<1x320000xi32, #tpu.memory_space<hbm>>
        %dma_wait3A_77 = tpu.memref_squeeze %dma_wait3A_76 : memref<1x320000xi32, #tpu.memory_space<hbm>> -> memref<320000xi32, #tpu.memory_space<hbm>>
        %dma_wait3A_78 = tpu.memref_slice %dma_wait3A_77[%mul3A_59] : memref<320000xi32, #tpu.memory_space<hbm>> -> memref<128xi32, #tpu.memory_space<hbm>>
        %dma_wait3A_79 = arith.constant 9984 : i32
        %dma_wait3A_80 = tpu.memref_slice %arg6[%dma_wait3A_79] : memref<10112xi32, #tpu.memory_space<vmem>> -> memref<128xi32, #tpu.memory_space<vmem>>
        %dma_wait3A_81 = arith.constant 0 : i32
        %dma_wait3A_82 = tpu.memref_slice %arg2[%cond3A, %dma_wait3A_81] : memref<2x320000xi32, #tpu.memory_space<hbm>> -> memref<1x320000xi32, #tpu.memory_space<hbm>>
        %dma_wait3A_83 = tpu.memref_squeeze %dma_wait3A_82 : memref<1x320000xi32, #tpu.memory_space<hbm>> -> memref<320000xi32, #tpu.memory_space<hbm>>
        %dma_wait3A_84 = tpu.memref_slice %dma_wait3A_83[%mul3A_59] : memref<320000xi32, #tpu.memory_space<hbm>> -> memref<128xi32, #tpu.memory_space<hbm>>
        tpu.wait_dma2 semaphore(%run_scoped3A_60 : memref<!tpu.dma_semaphore, #tpu.memory_space<semaphore_mem>>) src(%dma_wait3A_84 : memref<128xi32, #tpu.memory_space<hbm>>) dst(%dma_wait3A_80 : memref<128xi32, #tpu.memory_space<vmem>>)
        tpu.yield
      }) : () -> ()
    } else {
    }
    %mul3A_15 = arith.constant 128 : i32
    %mul3A_16 = arith.muli %add3A_4, %mul3A_15 : i32
    %run_scoped3A_17 = arith.constant 1 : i32
    "tpu.region"() ({
      %run_scoped3A_56 = tpu.sem_alloc : memref<!tpu.dma_semaphore, #tpu.memory_space<semaphore_mem>>
      %dma_start3A_57 = arith.constant 0 : i32
      %dma_start3A_58 = tpu.memref_slice %arg7[%dma_start3A_57] : memref<10112xi32, #tpu.memory_space<vmem>> -> memref<9984xi32, #tpu.memory_space<vmem>>
      %dma_start3A_59 = arith.constant 0 : i32
      %dma_start3A_60 = tpu.memref_slice %arg2[%run_scoped3A_17, %dma_start3A_59] : memref<2x320000xi32, #tpu.memory_space<hbm>> -> memref<1x320000xi32, #tpu.memory_space<hbm>>
      %dma_start3A_61 = tpu.memref_squeeze %dma_start3A_60 : memref<1x320000xi32, #tpu.memory_space<hbm>> -> memref<320000xi32, #tpu.memory_space<hbm>>
      %dma_start3A_62 = tpu.memref_slice %dma_start3A_61[%mul3A_16] : memref<320000xi32, #tpu.memory_space<hbm>> -> memref<9984xi32, #tpu.memory_space<hbm>>
      %dma_start3A_63 = arith.constant 0 : i32
      %dma_start3A_64 = tpu.memref_slice %arg7[%dma_start3A_63] : memref<10112xi32, #tpu.memory_space<vmem>> -> memref<9984xi32, #tpu.memory_space<vmem>>
      %dma_start3A_65 = arith.constant 0 : i32
      %dma_start3A_66 = tpu.memref_slice %arg2[%run_scoped3A_17, %dma_start3A_65] : memref<2x320000xi32, #tpu.memory_space<hbm>> -> memref<1x320000xi32, #tpu.memory_space<hbm>>
      %dma_start3A_67 = tpu.memref_squeeze %dma_start3A_66 : memref<1x320000xi32, #tpu.memory_space<hbm>> -> memref<320000xi32, #tpu.memory_space<hbm>>
      %dma_start3A_68 = tpu.memref_slice %dma_start3A_67[%mul3A_16] : memref<320000xi32, #tpu.memory_space<hbm>> -> memref<9984xi32, #tpu.memory_space<hbm>>
      tpu.enqueue_dma source(%dma_start3A_68 : memref<9984xi32, #tpu.memory_space<hbm>>) target(%dma_start3A_64 : memref<9984xi32, #tpu.memory_space<vmem>>) target_semaphore(%run_scoped3A_56 : memref<!tpu.dma_semaphore, #tpu.memory_space<semaphore_mem>>)
      %dma_wait3A_69 = arith.constant 0 : i32
      %dma_wait3A_70 = tpu.memref_slice %arg7[%dma_wait3A_69] : memref<10112xi32, #tpu.memory_space<vmem>> -> memref<9984xi32, #tpu.memory_space<vmem>>
      %dma_wait3A_71 = arith.constant 0 : i32
      %dma_wait3A_72 = tpu.memref_slice %arg2[%run_scoped3A_17, %dma_wait3A_71] : memref<2x320000xi32, #tpu.memory_space<hbm>> -> memref<1x320000xi32, #tpu.memory_space<hbm>>
      %dma_wait3A_73 = tpu.memref_squeeze %dma_wait3A_72 : memref<1x320000xi32, #tpu.memory_space<hbm>> -> memref<320000xi32, #tpu.memory_space<hbm>>
      %dma_wait3A_74 = tpu.memref_slice %dma_wait3A_73[%mul3A_16] : memref<320000xi32, #tpu.memory_space<hbm>> -> memref<9984xi32, #tpu.memory_space<hbm>>
      %dma_wait3A_75 = arith.constant 0 : i32
      %dma_wait3A_76 = tpu.memref_slice %arg7[%dma_wait3A_75] : memref<10112xi32, #tpu.memory_space<vmem>> -> memref<9984xi32, #tpu.memory_space<vmem>>
      %dma_wait3A_77 = arith.constant 0 : i32
      %dma_wait3A_78 = tpu.memref_slice %arg2[%run_scoped3A_17, %dma_wait3A_77] : memref<2x320000xi32, #tpu.memory_space<hbm>> -> memref<1x320000xi32, #tpu.memory_space<hbm>>
      %dma_wait3A_79 = tpu.memref_squeeze %dma_wait3A_78 : memref<1x320000xi32, #tpu.memory_space<hbm>> -> memref<320000xi32, #tpu.memory_space<hbm>>
      %dma_wait3A_80 = tpu.memref_slice %dma_wait3A_79[%mul3A_16] : memref<320000xi32, #tpu.memory_space<hbm>> -> memref<9984xi32, #tpu.memory_space<hbm>>
      tpu.wait_dma2 semaphore(%run_scoped3A_56 : memref<!tpu.dma_semaphore, #tpu.memory_space<semaphore_mem>>) src(%dma_wait3A_80 : memref<9984xi32, #tpu.memory_space<hbm>>) dst(%dma_wait3A_76 : memref<9984xi32, #tpu.memory_space<vmem>>)
      tpu.yield
    }) : () -> ()
    %lt3A_18 = arith.constant 4 : i32
    %lt3A_19 = arith.cmpi slt, %add3A, %lt3A_18 : i32
    %convert_element_type3A_20 = arith.extui %lt3A_19 : i1 to i32
    %cond3A_21 = arith.constant 1 : i32
    %cond3A_22 = arith.constant 0 : i32
    %cond3A_23 = arith.cmpi ne, %convert_element_type3A_20, %cond3A_22 : i32
    scf.if %cond3A_23 {
      %add3A_56 = arith.constant 78 : i32
      %add3A_57 = arith.addi %add3A_4, %add3A_56 : i32
      %mul3A_58 = arith.constant 128 : i32
      %mul3A_59 = arith.muli %add3A_57, %mul3A_58 : i32
      "tpu.region"() ({
        %run_scoped3A_60 = tpu.sem_alloc : memref<!tpu.dma_semaphore, #tpu.memory_space<semaphore_mem>>
        %dma_start3A_61 = arith.constant 9984 : i32
        %dma_start3A_62 = tpu.memref_slice %arg7[%dma_start3A_61] : memref<10112xi32, #tpu.memory_space<vmem>> -> memref<128xi32, #tpu.memory_space<vmem>>
        %dma_start3A_63 = arith.constant 0 : i32
        %dma_start3A_64 = tpu.memref_slice %arg2[%cond3A_21, %dma_start3A_63] : memref<2x320000xi32, #tpu.memory_space<hbm>> -> memref<1x320000xi32, #tpu.memory_space<hbm>>
        %dma_start3A_65 = tpu.memref_squeeze %dma_start3A_64 : memref<1x320000xi32, #tpu.memory_space<hbm>> -> memref<320000xi32, #tpu.memory_space<hbm>>
        %dma_start3A_66 = tpu.memref_slice %dma_start3A_65[%mul3A_59] : memref<320000xi32, #tpu.memory_space<hbm>> -> memref<128xi32, #tpu.memory_space<hbm>>
        %dma_start3A_67 = arith.constant 9984 : i32
        %dma_start3A_68 = tpu.memref_slice %arg7[%dma_start3A_67] : memref<10112xi32, #tpu.memory_space<vmem>> -> memref<128xi32, #tpu.memory_space<vmem>>
        %dma_start3A_69 = arith.constant 0 : i32
        %dma_start3A_70 = tpu.memref_slice %arg2[%cond3A_21, %dma_start3A_69] : memref<2x320000xi32, #tpu.memory_space<hbm>> -> memref<1x320000xi32, #tpu.memory_space<hbm>>
        %dma_start3A_71 = tpu.memref_squeeze %dma_start3A_70 : memref<1x320000xi32, #tpu.memory_space<hbm>> -> memref<320000xi32, #tpu.memory_space<hbm>>
        %dma_start3A_72 = tpu.memref_slice %dma_start3A_71[%mul3A_59] : memref<320000xi32, #tpu.memory_space<hbm>> -> memref<128xi32, #tpu.memory_space<hbm>>
        tpu.enqueue_dma source(%dma_start3A_72 : memref<128xi32, #tpu.memory_space<hbm>>) target(%dma_start3A_68 : memref<128xi32, #tpu.memory_space<vmem>>) target_semaphore(%run_scoped3A_60 : memref<!tpu.dma_semaphore, #tpu.memory_space<semaphore_mem>>)
        %dma_wait3A_73 = arith.constant 9984 : i32
        %dma_wait3A_74 = tpu.memref_slice %arg7[%dma_wait3A_73] : memref<10112xi32, #tpu.memory_space<vmem>> -> memref<128xi32, #tpu.memory_space<vmem>>
        %dma_wait3A_75 = arith.constant 0 : i32
        %dma_wait3A_76 = tpu.memref_slice %arg2[%cond3A_21, %dma_wait3A_75] : memref<2x320000xi32, #tpu.memory_space<hbm>> -> memref<1x320000xi32, #tpu.memory_space<hbm>>
        %dma_wait3A_77 = tpu.memref_squeeze %dma_wait3A_76 : memref<1x320000xi32, #tpu.memory_space<hbm>> -> memref<320000xi32, #tpu.memory_space<hbm>>
        %dma_wait3A_78 = tpu.memref_slice %dma_wait3A_77[%mul3A_59] : memref<320000xi32, #tpu.memory_space<hbm>> -> memref<128xi32, #tpu.memory_space<hbm>>
        %dma_wait3A_79 = arith.constant 9984 : i32
        %dma_wait3A_80 = tpu.memref_slice %arg7[%dma_wait3A_79] : memref<10112xi32, #tpu.memory_space<vmem>> -> memref<128xi32, #tpu.memory_space<vmem>>
        %dma_wait3A_81 = arith.constant 0 : i32
        %dma_wait3A_82 = tpu.memref_slice %arg2[%cond3A_21, %dma_wait3A_81] : memref<2x320000xi32, #tpu.memory_space<hbm>> -> memref<1x320000xi32, #tpu.memory_space<hbm>>
        %dma_wait3A_83 = tpu.memref_squeeze %dma_wait3A_82 : memref<1x320000xi32, #tpu.memory_space<hbm>> -> memref<320000xi32, #tpu.memory_space<hbm>>
        %dma_wait3A_84 = tpu.memref_slice %dma_wait3A_83[%mul3A_59] : memref<320000xi32, #tpu.memory_space<hbm>> -> memref<128xi32, #tpu.memory_space<hbm>>
        tpu.wait_dma2 semaphore(%run_scoped3A_60 : memref<!tpu.dma_semaphore, #tpu.memory_space<semaphore_mem>>) src(%dma_wait3A_84 : memref<128xi32, #tpu.memory_space<hbm>>) dst(%dma_wait3A_80 : memref<128xi32, #tpu.memory_space<vmem>>)
        tpu.yield
      }) : () -> ()
    } else {
    }
    %mul3A_24 = arith.constant 640 : i32
    %mul3A_25 = arith.muli %arg1, %mul3A_24 : i32
    %mul3A_26 = arith.constant 640 : i32
    %mul3A_27 = arith.muli %arg1, %mul3A_26 : i32
    "tpu.region"() ({
      %run_scoped3A_56 = tpu.sem_alloc : memref<!tpu.dma_semaphore, #tpu.memory_space<semaphore_mem>>
      %dma_start3A_57 = arith.constant 0 : i32
      %dma_start3A_58 = tpu.memref_slice %arg18[%mul3A_27, %dma_start3A_57] : memref<10240x64xf32, #tpu.memory_space<vmem_shared>> -> memref<640x64xf32, #tpu.memory_space<vmem_shared>>
      %dma_start3A_59 = arith.constant 0 : i32
      %dma_start3A_60 = tpu.memref_slice %arg3[%mul3A_25, %dma_start3A_59] : memref<10240x64xf32, #tpu.memory_space<hbm>> -> memref<640x64xf32, #tpu.memory_space<hbm>>
      tpu.enqueue_dma source(%dma_start3A_60 : memref<640x64xf32, #tpu.memory_space<hbm>>) target(%dma_start3A_58 : memref<640x64xf32, #tpu.memory_space<vmem_shared>>) target_semaphore(%run_scoped3A_56 : memref<!tpu.dma_semaphore, #tpu.memory_space<semaphore_mem>>)
      %dma_wait3A_61 = arith.constant 0 : i32
      %dma_wait3A_62 = tpu.memref_slice %arg18[%mul3A_27, %dma_wait3A_61] : memref<10240x64xf32, #tpu.memory_space<vmem_shared>> -> memref<640x64xf32, #tpu.memory_space<vmem_shared>>
      %dma_wait3A_63 = arith.constant 0 : i32
      %dma_wait3A_64 = tpu.memref_slice %arg3[%mul3A_25, %dma_wait3A_63] : memref<10240x64xf32, #tpu.memory_space<hbm>> -> memref<640x64xf32, #tpu.memory_space<hbm>>
      tpu.wait_dma2 semaphore(%run_scoped3A_56 : memref<!tpu.dma_semaphore, #tpu.memory_space<semaphore_mem>>) src(%dma_wait3A_64 : memref<640x64xf32, #tpu.memory_space<hbm>>) dst(%dma_wait3A_62 : memref<640x64xf32, #tpu.memory_space<vmem_shared>>)
      tpu.yield
    }) : () -> ()
    %mul3A_28 = arith.constant 640 : i32
    %mul3A_29 = arith.muli %arg1, %mul3A_28 : i32
    "tpu.region"() ({
      %run_scoped3A_56 = tpu.sem_alloc : memref<!tpu.dma_semaphore, #tpu.memory_space<semaphore_mem>>
      %dma_start3A_57 = arith.constant 0 : i32
      %dma_start3A_58 = tpu.memref_slice %arg17[%mul3A_29, %dma_start3A_57] : memref<10240x64xf32, #tpu.memory_space<vmem_shared>> -> memref<640x64xf32, #tpu.memory_space<vmem_shared>>
      tpu.enqueue_dma source(%arg4 : memref<640x64xf32, #tpu.memory_space<hbm>>) target(%dma_start3A_58 : memref<640x64xf32, #tpu.memory_space<vmem_shared>>) target_semaphore(%run_scoped3A_56 : memref<!tpu.dma_semaphore, #tpu.memory_space<semaphore_mem>>)
      %dma_wait3A_59 = arith.constant 0 : i32
      %dma_wait3A_60 = tpu.memref_slice %arg17[%mul3A_29, %dma_wait3A_59] : memref<10240x64xf32, #tpu.memory_space<vmem_shared>> -> memref<640x64xf32, #tpu.memory_space<vmem_shared>>
      tpu.wait_dma2 semaphore(%run_scoped3A_56 : memref<!tpu.dma_semaphore, #tpu.memory_space<semaphore_mem>>) src(%arg4 : memref<640x64xf32, #tpu.memory_space<hbm>>) dst(%dma_wait3A_60 : memref<640x64xf32, #tpu.memory_space<vmem_shared>>)
      tpu.yield
    }) : () -> ()
    %barrier3A = arith.constant 0 : index
    tpu.barrier barrier_id(%barrier3A)
    %dma_start3A = arith.constant 0 : i32
    %dma_start3A_30 = tpu.memref_slice %arg6[%dma_start3A] : memref<10112xi32, #tpu.memory_space<vmem>> -> memref<128xi32, #tpu.memory_space<vmem>>
    %dma_start3A_31 = arith.constant 0 : i32
    %dma_start3A_32 = arith.constant 0 : i32
    %dma_start3A_33 = tpu.memref_slice %arg18[%dma_start3A_31, %dma_start3A_32] : memref<10240x64xf32, #tpu.memory_space<vmem_shared>> -> memref<10240x64xf32, #tpu.memory_space<vmem_shared>>
    tpu.enqueue_indirect_dma source(%dma_start3A_33 : memref<10240x64xf32, #tpu.memory_space<vmem_shared>>) target(%arg8 : memref<128x64xf32, #tpu.memory_space<vmem>>) offsets(%dma_start3A_30 : memref<128xi32, #tpu.memory_space<vmem>>) semaphore(%arg11 : memref<!tpu.dma_semaphore, #tpu.memory_space<semaphore_mem>>)
    %dma_start3A_34 = arith.constant 128 : i32
    %dma_start3A_35 = tpu.memref_slice %arg6[%dma_start3A_34] : memref<10112xi32, #tpu.memory_space<vmem>> -> memref<128xi32, #tpu.memory_space<vmem>>
    %dma_start3A_36 = arith.constant 0 : i32
    %dma_start3A_37 = arith.constant 0 : i32
    %dma_start3A_38 = tpu.memref_slice %arg18[%dma_start3A_36, %dma_start3A_37] : memref<10240x64xf32, #tpu.memory_space<vmem_shared>> -> memref<10240x64xf32, #tpu.memory_space<vmem_shared>>
    tpu.enqueue_indirect_dma source(%dma_start3A_38 : memref<10240x64xf32, #tpu.memory_space<vmem_shared>>) target(%arg9 : memref<128x64xf32, #tpu.memory_space<vmem>>) offsets(%dma_start3A_35 : memref<128xi32, #tpu.memory_space<vmem>>) semaphore(%arg12 : memref<!tpu.dma_semaphore, #tpu.memory_space<semaphore_mem>>)
    %scan3A = arith.constant 0 : i32
    %scan3A_39 = arith.constant 26 : i32
    %scan3A_40 = arith.addi %scan3A, %scan3A_39 : i32
    %scan3A_41 = arith.constant 1 : i32
    scf.for %scan3A_56 = %scan3A to %scan3A_40 step %scan3A_41  : i32 {
      %mul3A_57 = arith.constant 3 : i32
      %mul3A_58 = arith.muli %scan3A_56, %mul3A_57 : i32
      %add3A_59 = arith.constant 0 : i32
      %add3A_60 = arith.addi %mul3A_58, %add3A_59 : i32
      %mul3A_61 = arith.constant 128 : i32
      %mul3A_62 = arith.muli %add3A_60, %mul3A_61 : i32
      %dma_wait3A_63 = tpu.memref_slice %arg6[%mul3A_62] : memref<10112xi32, #tpu.memory_space<vmem>> -> memref<128xi32, #tpu.memory_space<vmem>>
      %dma_wait3A_64 = arith.constant 0 : i32
      %dma_wait3A_65 = arith.constant 0 : i32
      %dma_wait3A_66 = tpu.memref_slice %arg18[%dma_wait3A_64, %dma_wait3A_65] : memref<10240x64xf32, #tpu.memory_space<vmem_shared>> -> memref<10240x64xf32, #tpu.memory_space<vmem_shared>>
      tpu.wait_indirect_dma semaphore(%arg11 : memref<!tpu.dma_semaphore, #tpu.memory_space<semaphore_mem>>) src(%dma_wait3A_66 : memref<10240x64xf32, #tpu.memory_space<vmem_shared>>) dst(%arg8 : memref<128x64xf32, #tpu.memory_space<vmem>>)
      %ge3A = arith.constant 1 : i32
      %ge3A_67 = arith.cmpi sge, %scan3A_56, %ge3A : i32
      %convert_element_type3A_68 = arith.extui %ge3A_67 : i1 to i32
      %cond3A_69 = arith.constant 0 : i32
      %cond3A_70 = arith.cmpi ne, %convert_element_type3A_68, %cond3A_69 : i32
      scf.if %cond3A_70 {
        %mul3A_135 = arith.constant 128 : i32
        %mul3A_136 = arith.muli %add3A_60, %mul3A_135 : i32
        %dma_wait3A_137 = tpu.memref_slice %arg7[%mul3A_136] : memref<10112xi32, #tpu.memory_space<vmem>> -> memref<128xi32, #tpu.memory_space<vmem>>
        %dma_wait3A_138 = arith.constant 0 : i32
        %dma_wait3A_139 = arith.constant 0 : i32
        %dma_wait3A_140 = tpu.memref_slice %arg17[%dma_wait3A_138, %dma_wait3A_139] : memref<10240x64xf32, #tpu.memory_space<vmem_shared>> -> memref<10240x64xf32, #tpu.memory_space<vmem_shared>>
        tpu.wait_indirect_dma semaphore(%arg16 : memref<!tpu.dma_semaphore, #tpu.memory_space<semaphore_mem>>) src(%arg10 : memref<128x64xf32, #tpu.memory_space<vmem>>) dst(%dma_wait3A_140 : memref<10240x64xf32, #tpu.memory_space<vmem_shared>>)
      } else {
      }
      %mul3A_71 = arith.constant 128 : i32
      %mul3A_72 = arith.muli %add3A_60, %mul3A_71 : i32
      %dma_start3A_73 = tpu.memref_slice %arg7[%mul3A_72] : memref<10112xi32, #tpu.memory_space<vmem>> -> memref<128xi32, #tpu.memory_space<vmem>>
      %dma_start3A_74 = arith.constant 0 : i32
      %dma_start3A_75 = arith.constant 0 : i32
      %dma_start3A_76 = tpu.memref_slice %arg17[%dma_start3A_74, %dma_start3A_75] : memref<10240x64xf32, #tpu.memory_space<vmem_shared>> -> memref<10240x64xf32, #tpu.memory_space<vmem_shared>>
      tpu.enqueue_indirect_dma source(%arg8 : memref<128x64xf32, #tpu.memory_space<vmem>>) target(%dma_start3A_76 : memref<10240x64xf32, #tpu.memory_space<vmem_shared>>) offsets(%dma_start3A_73 : memref<128xi32, #tpu.memory_space<vmem>>) semaphore(%arg14 : memref<!tpu.dma_semaphore, #tpu.memory_space<semaphore_mem>>) {add = true}
      %add3A_77 = arith.constant 2 : i32
      %add3A_78 = arith.addi %add3A_60, %add3A_77 : i32
      %lt3A_79 = arith.cmpi slt, %add3A_78, %add3A_8 : i32
      %convert_element_type3A_80 = arith.extui %lt3A_79 : i1 to i32
      %cond3A_81 = arith.constant 0 : i32
      %cond3A_82 = arith.cmpi ne, %convert_element_type3A_80, %cond3A_81 : i32
      scf.if %cond3A_82 {
        %add3A_135 = arith.constant 2 : i32
        %add3A_136 = arith.addi %add3A_60, %add3A_135 : i32
        %mul3A_137 = arith.constant 128 : i32
        %mul3A_138 = arith.muli %add3A_136, %mul3A_137 : i32
        %dma_start3A_139 = tpu.memref_slice %arg6[%mul3A_138] : memref<10112xi32, #tpu.memory_space<vmem>> -> memref<128xi32, #tpu.memory_space<vmem>>
        %dma_start3A_140 = arith.constant 0 : i32
        %dma_start3A_141 = arith.constant 0 : i32
        %dma_start3A_142 = tpu.memref_slice %arg18[%dma_start3A_140, %dma_start3A_141] : memref<10240x64xf32, #tpu.memory_space<vmem_shared>> -> memref<10240x64xf32, #tpu.memory_space<vmem_shared>>
        tpu.enqueue_indirect_dma source(%dma_start3A_142 : memref<10240x64xf32, #tpu.memory_space<vmem_shared>>) target(%arg10 : memref<128x64xf32, #tpu.memory_space<vmem>>) offsets(%dma_start3A_139 : memref<128xi32, #tpu.memory_space<vmem>>) semaphore(%arg13 : memref<!tpu.dma_semaphore, #tpu.memory_space<semaphore_mem>>)
      } else {
      }
      %add3A_83 = arith.constant 1 : i32
      %add3A_84 = arith.addi %mul3A_58, %add3A_83 : i32
      %mul3A_85 = arith.constant 128 : i32
      %mul3A_86 = arith.muli %add3A_84, %mul3A_85 : i32
      %dma_wait3A_87 = tpu.memref_slice %arg6[%mul3A_86] : memref<10112xi32, #tpu.memory_space<vmem>> -> memref<128xi32, #tpu.memory_space<vmem>>
      %dma_wait3A_88 = arith.constant 0 : i32
      %dma_wait3A_89 = arith.constant 0 : i32
      %dma_wait3A_90 = tpu.memref_slice %arg18[%dma_wait3A_88, %dma_wait3A_89] : memref<10240x64xf32, #tpu.memory_space<vmem_shared>> -> memref<10240x64xf32, #tpu.memory_space<vmem_shared>>
      tpu.wait_indirect_dma semaphore(%arg12 : memref<!tpu.dma_semaphore, #tpu.memory_space<semaphore_mem>>) src(%dma_wait3A_90 : memref<10240x64xf32, #tpu.memory_space<vmem_shared>>) dst(%arg9 : memref<128x64xf32, #tpu.memory_space<vmem>>)
      %mul3A_91 = arith.constant 128 : i32
      %mul3A_92 = arith.muli %add3A_84, %mul3A_91 : i32
      %dma_wait3A_93 = tpu.memref_slice %arg7[%mul3A_92] : memref<10112xi32, #tpu.memory_space<vmem>> -> memref<128xi32, #tpu.memory_space<vmem>>
      %dma_wait3A_94 = arith.constant 0 : i32
      %dma_wait3A_95 = arith.constant 0 : i32
      %dma_wait3A_96 = tpu.memref_slice %arg17[%dma_wait3A_94, %dma_wait3A_95] : memref<10240x64xf32, #tpu.memory_space<vmem_shared>> -> memref<10240x64xf32, #tpu.memory_space<vmem_shared>>
      tpu.wait_indirect_dma semaphore(%arg14 : memref<!tpu.dma_semaphore, #tpu.memory_space<semaphore_mem>>) src(%arg8 : memref<128x64xf32, #tpu.memory_space<vmem>>) dst(%dma_wait3A_96 : memref<10240x64xf32, #tpu.memory_space<vmem_shared>>)
      %mul3A_97 = arith.constant 128 : i32
      %mul3A_98 = arith.muli %add3A_84, %mul3A_97 : i32
      %dma_start3A_99 = tpu.memref_slice %arg7[%mul3A_98] : memref<10112xi32, #tpu.memory_space<vmem>> -> memref<128xi32, #tpu.memory_space<vmem>>
      %dma_start3A_100 = arith.constant 0 : i32
      %dma_start3A_101 = arith.constant 0 : i32
      %dma_start3A_102 = tpu.memref_slice %arg17[%dma_start3A_100, %dma_start3A_101] : memref<10240x64xf32, #tpu.memory_space<vmem_shared>> -> memref<10240x64xf32, #tpu.memory_space<vmem_shared>>
      tpu.enqueue_indirect_dma source(%arg9 : memref<128x64xf32, #tpu.memory_space<vmem>>) target(%dma_start3A_102 : memref<10240x64xf32, #tpu.memory_space<vmem_shared>>) offsets(%dma_start3A_99 : memref<128xi32, #tpu.memory_space<vmem>>) semaphore(%arg15 : memref<!tpu.dma_semaphore, #tpu.memory_space<semaphore_mem>>) {add = true}
      %add3A_103 = arith.constant 2 : i32
      %add3A_104 = arith.addi %add3A_84, %add3A_103 : i32
      %lt3A_105 = arith.cmpi slt, %add3A_104, %add3A_8 : i32
      %convert_element_type3A_106 = arith.extui %lt3A_105 : i1 to i32
      %cond3A_107 = arith.constant 0 : i32
      %cond3A_108 = arith.cmpi ne, %convert_element_type3A_106, %cond3A_107 : i32
      scf.if %cond3A_108 {
        %add3A_135 = arith.constant 2 : i32
        %add3A_136 = arith.addi %add3A_84, %add3A_135 : i32
        %mul3A_137 = arith.constant 128 : i32
        %mul3A_138 = arith.muli %add3A_136, %mul3A_137 : i32
        %dma_start3A_139 = tpu.memref_slice %arg6[%mul3A_138] : memref<10112xi32, #tpu.memory_space<vmem>> -> memref<128xi32, #tpu.memory_space<vmem>>
        %dma_start3A_140 = arith.constant 0 : i32
        %dma_start3A_141 = arith.constant 0 : i32
        %dma_start3A_142 = tpu.memref_slice %arg18[%dma_start3A_140, %dma_start3A_141] : memref<10240x64xf32, #tpu.memory_space<vmem_shared>> -> memref<10240x64xf32, #tpu.memory_space<vmem_shared>>
        tpu.enqueue_indirect_dma source(%dma_start3A_142 : memref<10240x64xf32, #tpu.memory_space<vmem_shared>>) target(%arg8 : memref<128x64xf32, #tpu.memory_space<vmem>>) offsets(%dma_start3A_139 : memref<128xi32, #tpu.memory_space<vmem>>) semaphore(%arg11 : memref<!tpu.dma_semaphore, #tpu.memory_space<semaphore_mem>>)
      } else {
      }
      %add3A_109 = arith.constant 2 : i32
      %add3A_110 = arith.addi %mul3A_58, %add3A_109 : i32
      %mul3A_111 = arith.constant 128 : i32
      %mul3A_112 = arith.muli %add3A_110, %mul3A_111 : i32
      %dma_wait3A_113 = tpu.memref_slice %arg6[%mul3A_112] : memref<10112xi32, #tpu.memory_space<vmem>> -> memref<128xi32, #tpu.memory_space<vmem>>
      %dma_wait3A_114 = arith.constant 0 : i32
      %dma_wait3A_115 = arith.constant 0 : i32
      %dma_wait3A_116 = tpu.memref_slice %arg18[%dma_wait3A_114, %dma_wait3A_115] : memref<10240x64xf32, #tpu.memory_space<vmem_shared>> -> memref<10240x64xf32, #tpu.memory_space<vmem_shared>>
      tpu.wait_indirect_dma semaphore(%arg13 : memref<!tpu.dma_semaphore, #tpu.memory_space<semaphore_mem>>) src(%dma_wait3A_116 : memref<10240x64xf32, #tpu.memory_space<vmem_shared>>) dst(%arg10 : memref<128x64xf32, #tpu.memory_space<vmem>>)
      %mul3A_117 = arith.constant 128 : i32
      %mul3A_118 = arith.muli %add3A_110, %mul3A_117 : i32
      %dma_wait3A_119 = tpu.memref_slice %arg7[%mul3A_118] : memref<10112xi32, #tpu.memory_space<vmem>> -> memref<128xi32, #tpu.memory_space<vmem>>
      %dma_wait3A_120 = arith.constant 0 : i32
      %dma_wait3A_121 = arith.constant 0 : i32
      %dma_wait3A_122 = tpu.memref_slice %arg17[%dma_wait3A_120, %dma_wait3A_121] : memref<10240x64xf32, #tpu.memory_space<vmem_shared>> -> memref<10240x64xf32, #tpu.memory_space<vmem_shared>>
      tpu.wait_indirect_dma semaphore(%arg15 : memref<!tpu.dma_semaphore, #tpu.memory_space<semaphore_mem>>) src(%arg9 : memref<128x64xf32, #tpu.memory_space<vmem>>) dst(%dma_wait3A_122 : memref<10240x64xf32, #tpu.memory_space<vmem_shared>>)
      %mul3A_123 = arith.constant 128 : i32
      %mul3A_124 = arith.muli %add3A_110, %mul3A_123 : i32
      %dma_start3A_125 = tpu.memref_slice %arg7[%mul3A_124] : memref<10112xi32, #tpu.memory_space<vmem>> -> memref<128xi32, #tpu.memory_space<vmem>>
      %dma_start3A_126 = arith.constant 0 : i32
      %dma_start3A_127 = arith.constant 0 : i32
      %dma_start3A_128 = tpu.memref_slice %arg17[%dma_start3A_126, %dma_start3A_127] : memref<10240x64xf32, #tpu.memory_space<vmem_shared>> -> memref<10240x64xf32, #tpu.memory_space<vmem_shared>>
      tpu.enqueue_indirect_dma source(%arg10 : memref<128x64xf32, #tpu.memory_space<vmem>>) target(%dma_start3A_128 : memref<10240x64xf32, #tpu.memory_space<vmem_shared>>) offsets(%dma_start3A_125 : memref<128xi32, #tpu.memory_space<vmem>>) semaphore(%arg16 : memref<!tpu.dma_semaphore, #tpu.memory_space<semaphore_mem>>) {add = true}
      %add3A_129 = arith.constant 2 : i32
      %add3A_130 = arith.addi %add3A_110, %add3A_129 : i32
      %lt3A_131 = arith.cmpi slt, %add3A_130, %add3A_8 : i32
      %convert_element_type3A_132 = arith.extui %lt3A_131 : i1 to i32
      %cond3A_133 = arith.constant 0 : i32
      %cond3A_134 = arith.cmpi ne, %convert_element_type3A_132, %cond3A_133 : i32
      scf.if %cond3A_134 {
        %add3A_135 = arith.constant 2 : i32
        %add3A_136 = arith.addi %add3A_110, %add3A_135 : i32
        %mul3A_137 = arith.constant 128 : i32
        %mul3A_138 = arith.muli %add3A_136, %mul3A_137 : i32
        %dma_start3A_139 = tpu.memref_slice %arg6[%mul3A_138] : memref<10112xi32, #tpu.memory_space<vmem>> -> memref<128xi32, #tpu.memory_space<vmem>>
        %dma_start3A_140 = arith.constant 0 : i32
        %dma_start3A_141 = arith.constant 0 : i32
        %dma_start3A_142 = tpu.memref_slice %arg18[%dma_start3A_140, %dma_start3A_141] : memref<10240x64xf32, #tpu.memory_space<vmem_shared>> -> memref<10240x64xf32, #tpu.memory_space<vmem_shared>>
        tpu.enqueue_indirect_dma source(%dma_start3A_142 : memref<10240x64xf32, #tpu.memory_space<vmem_shared>>) target(%arg9 : memref<128x64xf32, #tpu.memory_space<vmem>>) offsets(%dma_start3A_139 : memref<128xi32, #tpu.memory_space<vmem>>) semaphore(%arg12 : memref<!tpu.dma_semaphore, #tpu.memory_space<semaphore_mem>>)
      } else {
      }
    }
    %scan3A_42 = arith.constant 26 : i32
    %dma_wait3A = arith.constant 9856 : i32
    %dma_wait3A_43 = tpu.memref_slice %arg7[%dma_wait3A] : memref<10112xi32, #tpu.memory_space<vmem>> -> memref<128xi32, #tpu.memory_space<vmem>>
    %dma_wait3A_44 = arith.constant 0 : i32
    %dma_wait3A_45 = arith.constant 0 : i32
    %dma_wait3A_46 = tpu.memref_slice %arg17[%dma_wait3A_44, %dma_wait3A_45] : memref<10240x64xf32, #tpu.memory_space<vmem_shared>> -> memref<10240x64xf32, #tpu.memory_space<vmem_shared>>
    tpu.wait_indirect_dma semaphore(%arg16 : memref<!tpu.dma_semaphore, #tpu.memory_space<semaphore_mem>>) src(%arg10 : memref<128x64xf32, #tpu.memory_space<vmem>>) dst(%dma_wait3A_46 : memref<10240x64xf32, #tpu.memory_space<vmem_shared>>)
    %gt3A = arith.constant 78 : i32
    %gt3A_47 = arith.cmpi sgt, %add3A_8, %gt3A : i32
    %convert_element_type3A_48 = arith.extui %gt3A_47 : i1 to i32
    %cond3A_49 = arith.constant 0 : i32
    %cond3A_50 = arith.cmpi ne, %convert_element_type3A_48, %cond3A_49 : i32
    scf.if %cond3A_50 {
      %dma_wait3A_56 = arith.constant 9984 : i32
      %dma_wait3A_57 = tpu.memref_slice %arg6[%dma_wait3A_56] : memref<10112xi32, #tpu.memory_space<vmem>> -> memref<128xi32, #tpu.memory_space<vmem>>
      %dma_wait3A_58 = arith.constant 0 : i32
      %dma_wait3A_59 = arith.constant 0 : i32
      %dma_wait3A_60 = tpu.memref_slice %arg18[%dma_wait3A_58, %dma_wait3A_59] : memref<10240x64xf32, #tpu.memory_space<vmem_shared>> -> memref<10240x64xf32, #tpu.memory_space<vmem_shared>>
      tpu.wait_indirect_dma semaphore(%arg11 : memref<!tpu.dma_semaphore, #tpu.memory_space<semaphore_mem>>) src(%dma_wait3A_60 : memref<10240x64xf32, #tpu.memory_space<vmem_shared>>) dst(%arg8 : memref<128x64xf32, #tpu.memory_space<vmem>>)
      "tpu.region"() ({
        %run_scoped3A_61 = tpu.sem_alloc : memref<!tpu.dma_semaphore, #tpu.memory_space<semaphore_mem>>
        %dma_start3A_62 = arith.constant 9984 : i32
        %dma_start3A_63 = tpu.memref_slice %arg7[%dma_start3A_62] : memref<10112xi32, #tpu.memory_space<vmem>> -> memref<128xi32, #tpu.memory_space<vmem>>
        %dma_start3A_64 = arith.constant 0 : i32
        %dma_start3A_65 = arith.constant 0 : i32
        %dma_start3A_66 = tpu.memref_slice %arg17[%dma_start3A_64, %dma_start3A_65] : memref<10240x64xf32, #tpu.memory_space<vmem_shared>> -> memref<10240x64xf32, #tpu.memory_space<vmem_shared>>
        tpu.enqueue_indirect_dma source(%arg8 : memref<128x64xf32, #tpu.memory_space<vmem>>) target(%dma_start3A_66 : memref<10240x64xf32, #tpu.memory_space<vmem_shared>>) offsets(%dma_start3A_63 : memref<128xi32, #tpu.memory_space<vmem>>) semaphore(%run_scoped3A_61 : memref<!tpu.dma_semaphore, #tpu.memory_space<semaphore_mem>>) {add = true}
        %dma_wait3A_67 = arith.constant 9984 : i32
        %dma_wait3A_68 = tpu.memref_slice %arg7[%dma_wait3A_67] : memref<10112xi32, #tpu.memory_space<vmem>> -> memref<128xi32, #tpu.memory_space<vmem>>
        %dma_wait3A_69 = arith.constant 0 : i32
        %dma_wait3A_70 = arith.constant 0 : i32
        %dma_wait3A_71 = tpu.memref_slice %arg17[%dma_wait3A_69, %dma_wait3A_70] : memref<10240x64xf32, #tpu.memory_space<vmem_shared>> -> memref<10240x64xf32, #tpu.memory_space<vmem_shared>>
        tpu.wait_indirect_dma semaphore(%run_scoped3A_61 : memref<!tpu.dma_semaphore, #tpu.memory_space<semaphore_mem>>) src(%arg8 : memref<128x64xf32, #tpu.memory_space<vmem>>) dst(%dma_wait3A_71 : memref<10240x64xf32, #tpu.memory_space<vmem_shared>>)
        tpu.yield
      }) : () -> ()
    } else {
    }
    %barrier3A_51 = arith.constant 0 : index
    tpu.barrier barrier_id(%barrier3A_51)
    %mul3A_52 = arith.constant 640 : i32
    %mul3A_53 = arith.muli %arg1, %mul3A_52 : i32
    %mul3A_54 = arith.constant 640 : i32
    %mul3A_55 = arith.muli %arg1, %mul3A_54 : i32
    "tpu.region"() ({
      %run_scoped3A_56 = tpu.sem_alloc : memref<!tpu.dma_semaphore, #tpu.memory_space<semaphore_mem>>
      %dma_start3A_57 = arith.constant 0 : i32
      %dma_start3A_58 = tpu.memref_slice %arg5[%arg0, %mul3A_55, %dma_start3A_57] : memref<2x10240x64xf32, #tpu.memory_space<hbm>> -> memref<1x640x64xf32, #tpu.memory_space<hbm>>
      %dma_start3A_59 = tpu.memref_squeeze %dma_start3A_58 : memref<1x640x64xf32, #tpu.memory_space<hbm>> -> memref<640x64xf32, #tpu.memory_space<hbm>>
      %dma_start3A_60 = arith.constant 0 : i32
      %dma_start3A_61 = tpu.memref_slice %arg17[%mul3A_53, %dma_start3A_60] : memref<10240x64xf32, #tpu.memory_space<vmem_shared>> -> memref<640x64xf32, #tpu.memory_space<vmem_shared>>
      tpu.enqueue_dma source(%dma_start3A_61 : memref<640x64xf32, #tpu.memory_space<vmem_shared>>) target(%dma_start3A_59 : memref<640x64xf32, #tpu.memory_space<hbm>>) target_semaphore(%run_scoped3A_56 : memref<!tpu.dma_semaphore, #tpu.memory_space<semaphore_mem>>)
      %dma_wait3A_62 = arith.constant 0 : i32
      %dma_wait3A_63 = tpu.memref_slice %arg5[%arg0, %mul3A_55, %dma_wait3A_62] : memref<2x10240x64xf32, #tpu.memory_space<hbm>> -> memref<1x640x64xf32, #tpu.memory_space<hbm>>
      %dma_wait3A_64 = tpu.memref_squeeze %dma_wait3A_63 : memref<1x640x64xf32, #tpu.memory_space<hbm>> -> memref<640x64xf32, #tpu.memory_space<hbm>>
      %dma_wait3A_65 = arith.constant 0 : i32
      %dma_wait3A_66 = tpu.memref_slice %arg17[%mul3A_53, %dma_wait3A_65] : memref<10240x64xf32, #tpu.memory_space<vmem_shared>> -> memref<640x64xf32, #tpu.memory_space<vmem_shared>>
      tpu.wait_dma2 semaphore(%run_scoped3A_56 : memref<!tpu.dma_semaphore, #tpu.memory_space<semaphore_mem>>) src(%dma_wait3A_66 : memref<640x64xf32, #tpu.memory_space<vmem_shared>>) dst(%dma_wait3A_64 : memref<640x64xf32, #tpu.memory_space<hbm>>)
      tpu.yield
    }) : () -> ()
    return
  }
}

#map = affine_map<(d0, d1) -> (0, 0)>
#map1 = affine_map<(d0, d1) -> (0, 0, 0)>
module attributes {stable_mosaic.version = 14 : i64} {
  func.func @_deg_kernel(%arg0: i32, %arg1: i32, %arg2: memref<2x320000xi32, #tpu.memory_space<hbm>>, %arg3: memref<640x8xf32, #tpu.memory_space<hbm>>, %arg4: memref<128x8xf32, #tpu.memory_space<hbm>>, %arg5: memref<2x10240x8xf32, #tpu.memory_space<hbm>>, %arg6: memref<10112xi32, #tpu.memory_space<vmem>>, %arg7: memref<128x8xf32, #tpu.memory_space<vmem>>, %arg8: memref<!tpu.dma_semaphore, #tpu.memory_space<semaphore_mem>>, %arg9: memref<10240x8xf32, #tpu.memory_space<vmem_shared>>) attributes {dimension_semantics = [#tpu.dimension_semantics<core_parallel>, #tpu.dimension_semantics<subcore_parallel>], iteration_bounds = array<i64: 2, 16>, scalar_prefetch = 0 : i64, scratch_operands = 4 : i64, tpu.core_type = #tpu.core_type<sc_vector_subcore>, window_params = [{transform_indices = #map}, {transform_indices = #map}, {transform_indices = #map}, {transform_indices = #map1}]} {
    %mul3A = arith.constant 16 : i32
    %mul3A_0 = arith.muli %arg0, %mul3A : i32
    %add3A = arith.addi %mul3A_0, %arg1 : i32
    %mul3A_1 = arith.constant 78 : i32
    %mul3A_2 = arith.muli %add3A, %mul3A_1 : i32
    %min3A = arith.constant 4 : i32
    %min3A_3 = arith.minsi %add3A, %min3A : i32
    %add3A_4 = arith.addi %mul3A_2, %min3A_3 : i32
    %lt3A = arith.constant 4 : i32
    %lt3A_5 = arith.cmpi slt, %add3A, %lt3A : i32
    %jit3A = arith.constant 1 : i32
    %jit3A_6 = arith.constant 0 : i32
    %select_n3A = arith.select %lt3A_5, %jit3A, %jit3A_6 : i32
    %add3A_7 = arith.constant 78 : i32
    %add3A_8 = arith.addi %add3A_7, %select_n3A : i32
    %mul3A_9 = arith.constant 128 : i32
    %mul3A_10 = arith.muli %add3A_4, %mul3A_9 : i32
    %run_scoped3A = arith.constant 1 : i32
    "tpu.region"() ({
      %run_scoped3A_49 = tpu.sem_alloc : memref<!tpu.dma_semaphore, #tpu.memory_space<semaphore_mem>>
      %dma_start3A = arith.constant 0 : i32
      %dma_start3A_50 = tpu.memref_slice %arg6[%dma_start3A] : memref<10112xi32, #tpu.memory_space<vmem>> -> memref<9984xi32, #tpu.memory_space<vmem>>
      %dma_start3A_51 = arith.constant 0 : i32
      %dma_start3A_52 = tpu.memref_slice %arg2[%run_scoped3A, %dma_start3A_51] : memref<2x320000xi32, #tpu.memory_space<hbm>> -> memref<1x320000xi32, #tpu.memory_space<hbm>>
      %dma_start3A_53 = tpu.memref_squeeze %dma_start3A_52 : memref<1x320000xi32, #tpu.memory_space<hbm>> -> memref<320000xi32, #tpu.memory_space<hbm>>
      %dma_start3A_54 = tpu.memref_slice %dma_start3A_53[%mul3A_10] : memref<320000xi32, #tpu.memory_space<hbm>> -> memref<9984xi32, #tpu.memory_space<hbm>>
      %dma_start3A_55 = arith.constant 0 : i32
      %dma_start3A_56 = tpu.memref_slice %arg6[%dma_start3A_55] : memref<10112xi32, #tpu.memory_space<vmem>> -> memref<9984xi32, #tpu.memory_space<vmem>>
      %dma_start3A_57 = arith.constant 0 : i32
      %dma_start3A_58 = tpu.memref_slice %arg2[%run_scoped3A, %dma_start3A_57] : memref<2x320000xi32, #tpu.memory_space<hbm>> -> memref<1x320000xi32, #tpu.memory_space<hbm>>
      %dma_start3A_59 = tpu.memref_squeeze %dma_start3A_58 : memref<1x320000xi32, #tpu.memory_space<hbm>> -> memref<320000xi32, #tpu.memory_space<hbm>>
      %dma_start3A_60 = tpu.memref_slice %dma_start3A_59[%mul3A_10] : memref<320000xi32, #tpu.memory_space<hbm>> -> memref<9984xi32, #tpu.memory_space<hbm>>
      tpu.enqueue_dma source(%dma_start3A_60 : memref<9984xi32, #tpu.memory_space<hbm>>) target(%dma_start3A_56 : memref<9984xi32, #tpu.memory_space<vmem>>) target_semaphore(%run_scoped3A_49 : memref<!tpu.dma_semaphore, #tpu.memory_space<semaphore_mem>>)
      %dma_wait3A_61 = arith.constant 0 : i32
      %dma_wait3A_62 = tpu.memref_slice %arg6[%dma_wait3A_61] : memref<10112xi32, #tpu.memory_space<vmem>> -> memref<9984xi32, #tpu.memory_space<vmem>>
      %dma_wait3A_63 = arith.constant 0 : i32
      %dma_wait3A_64 = tpu.memref_slice %arg2[%run_scoped3A, %dma_wait3A_63] : memref<2x320000xi32, #tpu.memory_space<hbm>> -> memref<1x320000xi32, #tpu.memory_space<hbm>>
      %dma_wait3A_65 = tpu.memref_squeeze %dma_wait3A_64 : memref<1x320000xi32, #tpu.memory_space<hbm>> -> memref<320000xi32, #tpu.memory_space<hbm>>
      %dma_wait3A_66 = tpu.memref_slice %dma_wait3A_65[%mul3A_10] : memref<320000xi32, #tpu.memory_space<hbm>> -> memref<9984xi32, #tpu.memory_space<hbm>>
      %dma_wait3A_67 = arith.constant 0 : i32
      %dma_wait3A_68 = tpu.memref_slice %arg6[%dma_wait3A_67] : memref<10112xi32, #tpu.memory_space<vmem>> -> memref<9984xi32, #tpu.memory_space<vmem>>
      %dma_wait3A_69 = arith.constant 0 : i32
      %dma_wait3A_70 = tpu.memref_slice %arg2[%run_scoped3A, %dma_wait3A_69] : memref<2x320000xi32, #tpu.memory_space<hbm>> -> memref<1x320000xi32, #tpu.memory_space<hbm>>
      %dma_wait3A_71 = tpu.memref_squeeze %dma_wait3A_70 : memref<1x320000xi32, #tpu.memory_space<hbm>> -> memref<320000xi32, #tpu.memory_space<hbm>>
      %dma_wait3A_72 = tpu.memref_slice %dma_wait3A_71[%mul3A_10] : memref<320000xi32, #tpu.memory_space<hbm>> -> memref<9984xi32, #tpu.memory_space<hbm>>
      tpu.wait_dma2 semaphore(%run_scoped3A_49 : memref<!tpu.dma_semaphore, #tpu.memory_space<semaphore_mem>>) src(%dma_wait3A_72 : memref<9984xi32, #tpu.memory_space<hbm>>) dst(%dma_wait3A_68 : memref<9984xi32, #tpu.memory_space<vmem>>)
      tpu.yield
    }) : () -> ()
    %lt3A_11 = arith.constant 4 : i32
    %lt3A_12 = arith.cmpi slt, %add3A, %lt3A_11 : i32
    %convert_element_type3A = arith.extui %lt3A_12 : i1 to i32
    %cond3A = arith.constant 1 : i32
    %cond3A_13 = arith.constant 0 : i32
    %cond3A_14 = arith.cmpi ne, %convert_element_type3A, %cond3A_13 : i32
    scf.if %cond3A_14 {
      %add3A_49 = arith.constant 78 : i32
      %add3A_50 = arith.addi %add3A_4, %add3A_49 : i32
      %mul3A_51 = arith.constant 128 : i32
      %mul3A_52 = arith.muli %add3A_50, %mul3A_51 : i32
      "tpu.region"() ({
        %run_scoped3A_53 = tpu.sem_alloc : memref<!tpu.dma_semaphore, #tpu.memory_space<semaphore_mem>>
        %dma_start3A = arith.constant 9984 : i32
        %dma_start3A_54 = tpu.memref_slice %arg6[%dma_start3A] : memref<10112xi32, #tpu.memory_space<vmem>> -> memref<128xi32, #tpu.memory_space<vmem>>
        %dma_start3A_55 = arith.constant 0 : i32
        %dma_start3A_56 = tpu.memref_slice %arg2[%cond3A, %dma_start3A_55] : memref<2x320000xi32, #tpu.memory_space<hbm>> -> memref<1x320000xi32, #tpu.memory_space<hbm>>
        %dma_start3A_57 = tpu.memref_squeeze %dma_start3A_56 : memref<1x320000xi32, #tpu.memory_space<hbm>> -> memref<320000xi32, #tpu.memory_space<hbm>>
        %dma_start3A_58 = tpu.memref_slice %dma_start3A_57[%mul3A_52] : memref<320000xi32, #tpu.memory_space<hbm>> -> memref<128xi32, #tpu.memory_space<hbm>>
        %dma_start3A_59 = arith.constant 9984 : i32
        %dma_start3A_60 = tpu.memref_slice %arg6[%dma_start3A_59] : memref<10112xi32, #tpu.memory_space<vmem>> -> memref<128xi32, #tpu.memory_space<vmem>>
        %dma_start3A_61 = arith.constant 0 : i32
        %dma_start3A_62 = tpu.memref_slice %arg2[%cond3A, %dma_start3A_61] : memref<2x320000xi32, #tpu.memory_space<hbm>> -> memref<1x320000xi32, #tpu.memory_space<hbm>>
        %dma_start3A_63 = tpu.memref_squeeze %dma_start3A_62 : memref<1x320000xi32, #tpu.memory_space<hbm>> -> memref<320000xi32, #tpu.memory_space<hbm>>
        %dma_start3A_64 = tpu.memref_slice %dma_start3A_63[%mul3A_52] : memref<320000xi32, #tpu.memory_space<hbm>> -> memref<128xi32, #tpu.memory_space<hbm>>
        tpu.enqueue_dma source(%dma_start3A_64 : memref<128xi32, #tpu.memory_space<hbm>>) target(%dma_start3A_60 : memref<128xi32, #tpu.memory_space<vmem>>) target_semaphore(%run_scoped3A_53 : memref<!tpu.dma_semaphore, #tpu.memory_space<semaphore_mem>>)
        %dma_wait3A_65 = arith.constant 9984 : i32
        %dma_wait3A_66 = tpu.memref_slice %arg6[%dma_wait3A_65] : memref<10112xi32, #tpu.memory_space<vmem>> -> memref<128xi32, #tpu.memory_space<vmem>>
        %dma_wait3A_67 = arith.constant 0 : i32
        %dma_wait3A_68 = tpu.memref_slice %arg2[%cond3A, %dma_wait3A_67] : memref<2x320000xi32, #tpu.memory_space<hbm>> -> memref<1x320000xi32, #tpu.memory_space<hbm>>
        %dma_wait3A_69 = tpu.memref_squeeze %dma_wait3A_68 : memref<1x320000xi32, #tpu.memory_space<hbm>> -> memref<320000xi32, #tpu.memory_space<hbm>>
        %dma_wait3A_70 = tpu.memref_slice %dma_wait3A_69[%mul3A_52] : memref<320000xi32, #tpu.memory_space<hbm>> -> memref<128xi32, #tpu.memory_space<hbm>>
        %dma_wait3A_71 = arith.constant 9984 : i32
        %dma_wait3A_72 = tpu.memref_slice %arg6[%dma_wait3A_71] : memref<10112xi32, #tpu.memory_space<vmem>> -> memref<128xi32, #tpu.memory_space<vmem>>
        %dma_wait3A_73 = arith.constant 0 : i32
        %dma_wait3A_74 = tpu.memref_slice %arg2[%cond3A, %dma_wait3A_73] : memref<2x320000xi32, #tpu.memory_space<hbm>> -> memref<1x320000xi32, #tpu.memory_space<hbm>>
        %dma_wait3A_75 = tpu.memref_squeeze %dma_wait3A_74 : memref<1x320000xi32, #tpu.memory_space<hbm>> -> memref<320000xi32, #tpu.memory_space<hbm>>
        %dma_wait3A_76 = tpu.memref_slice %dma_wait3A_75[%mul3A_52] : memref<320000xi32, #tpu.memory_space<hbm>> -> memref<128xi32, #tpu.memory_space<hbm>>
        tpu.wait_dma2 semaphore(%run_scoped3A_53 : memref<!tpu.dma_semaphore, #tpu.memory_space<semaphore_mem>>) src(%dma_wait3A_76 : memref<128xi32, #tpu.memory_space<hbm>>) dst(%dma_wait3A_72 : memref<128xi32, #tpu.memory_space<vmem>>)
        tpu.yield
      }) : () -> ()
    } else {
    }
    "tpu.region"() ({
      %run_scoped3A_49 = tpu.sem_alloc : memref<!tpu.dma_semaphore, #tpu.memory_space<semaphore_mem>>
      tpu.enqueue_dma source(%arg4 : memref<128x8xf32, #tpu.memory_space<hbm>>) target(%arg7 : memref<128x8xf32, #tpu.memory_space<vmem>>) target_semaphore(%run_scoped3A_49 : memref<!tpu.dma_semaphore, #tpu.memory_space<semaphore_mem>>)
      tpu.wait_dma2 semaphore(%run_scoped3A_49 : memref<!tpu.dma_semaphore, #tpu.memory_space<semaphore_mem>>) src(%arg4 : memref<128x8xf32, #tpu.memory_space<hbm>>) dst(%arg7 : memref<128x8xf32, #tpu.memory_space<vmem>>)
      tpu.yield
    }) : () -> ()
    %mul3A_15 = arith.constant 640 : i32
    %mul3A_16 = arith.muli %arg1, %mul3A_15 : i32
    "tpu.region"() ({
      %run_scoped3A_49 = tpu.sem_alloc : memref<!tpu.dma_semaphore, #tpu.memory_space<semaphore_mem>>
      %dma_start3A = arith.constant 0 : i32
      %dma_start3A_50 = tpu.memref_slice %arg9[%mul3A_16, %dma_start3A] : memref<10240x8xf32, #tpu.memory_space<vmem_shared>> -> memref<640x8xf32, #tpu.memory_space<vmem_shared>>
      tpu.enqueue_dma source(%arg3 : memref<640x8xf32, #tpu.memory_space<hbm>>) target(%dma_start3A_50 : memref<640x8xf32, #tpu.memory_space<vmem_shared>>) target_semaphore(%run_scoped3A_49 : memref<!tpu.dma_semaphore, #tpu.memory_space<semaphore_mem>>)
      %dma_wait3A_51 = arith.constant 0 : i32
      %dma_wait3A_52 = tpu.memref_slice %arg9[%mul3A_16, %dma_wait3A_51] : memref<10240x8xf32, #tpu.memory_space<vmem_shared>> -> memref<640x8xf32, #tpu.memory_space<vmem_shared>>
      tpu.wait_dma2 semaphore(%run_scoped3A_49 : memref<!tpu.dma_semaphore, #tpu.memory_space<semaphore_mem>>) src(%arg3 : memref<640x8xf32, #tpu.memory_space<hbm>>) dst(%dma_wait3A_52 : memref<640x8xf32, #tpu.memory_space<vmem_shared>>)
      tpu.yield
    }) : () -> ()
    %barrier3A = arith.constant 0 : index
    tpu.barrier barrier_id(%barrier3A)
    %while3A = arith.constant 0 : i32
    %while3A_17 = arith.subi %add3A_8, %while3A : i32
    %while3A_18 = arith.addi %while3A, %while3A_17 : i32
    %while3A_19 = arith.constant 1 : i32
    %while3A_20 = arith.divsi %while3A_17, %while3A_19 : i32
    %while3A_21 = arith.muli %while3A_20, %while3A_19 : i32
    %while3A_22 = arith.addi %while3A, %while3A_21 : i32
    %while3A_23 = arith.constant 1 : i32
    scf.for %while3A_49 = %while3A to %while3A_22 step %while3A_23  : i32 {
      %mul3A_50 = arith.constant 128 : i32
      %mul3A_51 = arith.muli %while3A_49, %mul3A_50 : i32
      %dma_start3A = tpu.memref_slice %arg6[%mul3A_51] : memref<10112xi32, #tpu.memory_space<vmem>> -> memref<128xi32, #tpu.memory_space<vmem>>
      %dma_start3A_52 = arith.constant 0 : i32
      %dma_start3A_53 = arith.constant 0 : i32
      %dma_start3A_54 = tpu.memref_slice %arg9[%dma_start3A_52, %dma_start3A_53] : memref<10240x8xf32, #tpu.memory_space<vmem_shared>> -> memref<10240x8xf32, #tpu.memory_space<vmem_shared>>
      tpu.enqueue_indirect_dma source(%arg7 : memref<128x8xf32, #tpu.memory_space<vmem>>) target(%dma_start3A_54 : memref<10240x8xf32, #tpu.memory_space<vmem_shared>>) offsets(%dma_start3A : memref<128xi32, #tpu.memory_space<vmem>>) semaphore(%arg8 : memref<!tpu.dma_semaphore, #tpu.memory_space<semaphore_mem>>) {add = true}
      %ge3A = arith.constant 4 : i32
      %ge3A_55 = arith.cmpi sge, %while3A_49, %ge3A : i32
      %convert_element_type3A_56 = arith.extui %ge3A_55 : i1 to i32
      %cond3A_57 = arith.constant 0 : i32
      %cond3A_58 = arith.cmpi ne, %convert_element_type3A_56, %cond3A_57 : i32
      scf.if %cond3A_58 {
        %dma_wait3A_59 = arith.constant 0 : i32
        %dma_wait3A_60 = tpu.memref_slice %arg6[%dma_wait3A_59] : memref<10112xi32, #tpu.memory_space<vmem>> -> memref<128xi32, #tpu.memory_space<vmem>>
        %dma_wait3A_61 = arith.constant 0 : i32
        %dma_wait3A_62 = arith.constant 0 : i32
        %dma_wait3A_63 = tpu.memref_slice %arg9[%dma_wait3A_61, %dma_wait3A_62] : memref<10240x8xf32, #tpu.memory_space<vmem_shared>> -> memref<10240x8xf32, #tpu.memory_space<vmem_shared>>
        tpu.wait_indirect_dma semaphore(%arg8 : memref<!tpu.dma_semaphore, #tpu.memory_space<semaphore_mem>>) src(%arg7 : memref<128x8xf32, #tpu.memory_space<vmem>>) dst(%dma_wait3A_63 : memref<10240x8xf32, #tpu.memory_space<vmem_shared>>)
      } else {
      }
    }
    %while3A_24 = arith.constant 1 : i32
    scf.for %while3A_49 = %while3A_22 to %while3A_18 step %while3A_24  : i32 {
      %mul3A_50 = arith.constant 128 : i32
      %mul3A_51 = arith.muli %while3A_49, %mul3A_50 : i32
      %dma_start3A = tpu.memref_slice %arg6[%mul3A_51] : memref<10112xi32, #tpu.memory_space<vmem>> -> memref<128xi32, #tpu.memory_space<vmem>>
      %dma_start3A_52 = arith.constant 0 : i32
      %dma_start3A_53 = arith.constant 0 : i32
      %dma_start3A_54 = tpu.memref_slice %arg9[%dma_start3A_52, %dma_start3A_53] : memref<10240x8xf32, #tpu.memory_space<vmem_shared>> -> memref<10240x8xf32, #tpu.memory_space<vmem_shared>>
      tpu.enqueue_indirect_dma source(%arg7 : memref<128x8xf32, #tpu.memory_space<vmem>>) target(%dma_start3A_54 : memref<10240x8xf32, #tpu.memory_space<vmem_shared>>) offsets(%dma_start3A : memref<128xi32, #tpu.memory_space<vmem>>) semaphore(%arg8 : memref<!tpu.dma_semaphore, #tpu.memory_space<semaphore_mem>>) {add = true}
      %ge3A = arith.constant 4 : i32
      %ge3A_55 = arith.cmpi sge, %while3A_49, %ge3A : i32
      %convert_element_type3A_56 = arith.extui %ge3A_55 : i1 to i32
      %cond3A_57 = arith.constant 0 : i32
      %cond3A_58 = arith.cmpi ne, %convert_element_type3A_56, %cond3A_57 : i32
      scf.if %cond3A_58 {
        %dma_wait3A_59 = arith.constant 0 : i32
        %dma_wait3A_60 = tpu.memref_slice %arg6[%dma_wait3A_59] : memref<10112xi32, #tpu.memory_space<vmem>> -> memref<128xi32, #tpu.memory_space<vmem>>
        %dma_wait3A_61 = arith.constant 0 : i32
        %dma_wait3A_62 = arith.constant 0 : i32
        %dma_wait3A_63 = tpu.memref_slice %arg9[%dma_wait3A_61, %dma_wait3A_62] : memref<10240x8xf32, #tpu.memory_space<vmem_shared>> -> memref<10240x8xf32, #tpu.memory_space<vmem_shared>>
        tpu.wait_indirect_dma semaphore(%arg8 : memref<!tpu.dma_semaphore, #tpu.memory_space<semaphore_mem>>) src(%arg7 : memref<128x8xf32, #tpu.memory_space<vmem>>) dst(%dma_wait3A_63 : memref<10240x8xf32, #tpu.memory_space<vmem_shared>>)
      } else {
      }
    }
    %dma_wait3A = arith.constant 0 : i32
    %dma_wait3A_25 = tpu.memref_slice %arg6[%dma_wait3A] : memref<10112xi32, #tpu.memory_space<vmem>> -> memref<128xi32, #tpu.memory_space<vmem>>
    %dma_wait3A_26 = arith.constant 0 : i32
    %dma_wait3A_27 = arith.constant 0 : i32
    %dma_wait3A_28 = tpu.memref_slice %arg9[%dma_wait3A_26, %dma_wait3A_27] : memref<10240x8xf32, #tpu.memory_space<vmem_shared>> -> memref<10240x8xf32, #tpu.memory_space<vmem_shared>>
    tpu.wait_indirect_dma semaphore(%arg8 : memref<!tpu.dma_semaphore, #tpu.memory_space<semaphore_mem>>) src(%arg7 : memref<128x8xf32, #tpu.memory_space<vmem>>) dst(%dma_wait3A_28 : memref<10240x8xf32, #tpu.memory_space<vmem_shared>>)
    %dma_wait3A_29 = arith.constant 0 : i32
    %dma_wait3A_30 = tpu.memref_slice %arg6[%dma_wait3A_29] : memref<10112xi32, #tpu.memory_space<vmem>> -> memref<128xi32, #tpu.memory_space<vmem>>
    %dma_wait3A_31 = arith.constant 0 : i32
    %dma_wait3A_32 = arith.constant 0 : i32
    %dma_wait3A_33 = tpu.memref_slice %arg9[%dma_wait3A_31, %dma_wait3A_32] : memref<10240x8xf32, #tpu.memory_space<vmem_shared>> -> memref<10240x8xf32, #tpu.memory_space<vmem_shared>>
    tpu.wait_indirect_dma semaphore(%arg8 : memref<!tpu.dma_semaphore, #tpu.memory_space<semaphore_mem>>) src(%arg7 : memref<128x8xf32, #tpu.memory_space<vmem>>) dst(%dma_wait3A_33 : memref<10240x8xf32, #tpu.memory_space<vmem_shared>>)
    %dma_wait3A_34 = arith.constant 0 : i32
    %dma_wait3A_35 = tpu.memref_slice %arg6[%dma_wait3A_34] : memref<10112xi32, #tpu.memory_space<vmem>> -> memref<128xi32, #tpu.memory_space<vmem>>
    %dma_wait3A_36 = arith.constant 0 : i32
    %dma_wait3A_37 = arith.constant 0 : i32
    %dma_wait3A_38 = tpu.memref_slice %arg9[%dma_wait3A_36, %dma_wait3A_37] : memref<10240x8xf32, #tpu.memory_space<vmem_shared>> -> memref<10240x8xf32, #tpu.memory_space<vmem_shared>>
    tpu.wait_indirect_dma semaphore(%arg8 : memref<!tpu.dma_semaphore, #tpu.memory_space<semaphore_mem>>) src(%arg7 : memref<128x8xf32, #tpu.memory_space<vmem>>) dst(%dma_wait3A_38 : memref<10240x8xf32, #tpu.memory_space<vmem_shared>>)
    %dma_wait3A_39 = arith.constant 0 : i32
    %dma_wait3A_40 = tpu.memref_slice %arg6[%dma_wait3A_39] : memref<10112xi32, #tpu.memory_space<vmem>> -> memref<128xi32, #tpu.memory_space<vmem>>
    %dma_wait3A_41 = arith.constant 0 : i32
    %dma_wait3A_42 = arith.constant 0 : i32
    %dma_wait3A_43 = tpu.memref_slice %arg9[%dma_wait3A_41, %dma_wait3A_42] : memref<10240x8xf32, #tpu.memory_space<vmem_shared>> -> memref<10240x8xf32, #tpu.memory_space<vmem_shared>>
    tpu.wait_indirect_dma semaphore(%arg8 : memref<!tpu.dma_semaphore, #tpu.memory_space<semaphore_mem>>) src(%arg7 : memref<128x8xf32, #tpu.memory_space<vmem>>) dst(%dma_wait3A_43 : memref<10240x8xf32, #tpu.memory_space<vmem_shared>>)
    %barrier3A_44 = arith.constant 0 : index
    tpu.barrier barrier_id(%barrier3A_44)
    %mul3A_45 = arith.constant 640 : i32
    %mul3A_46 = arith.muli %arg1, %mul3A_45 : i32
    %mul3A_47 = arith.constant 640 : i32
    %mul3A_48 = arith.muli %arg1, %mul3A_47 : i32
    "tpu.region"() ({
      %run_scoped3A_49 = tpu.sem_alloc : memref<!tpu.dma_semaphore, #tpu.memory_space<semaphore_mem>>
      %dma_start3A = arith.constant 0 : i32
      %dma_start3A_50 = tpu.memref_slice %arg5[%arg0, %mul3A_48, %dma_start3A] : memref<2x10240x8xf32, #tpu.memory_space<hbm>> -> memref<1x640x8xf32, #tpu.memory_space<hbm>>
      %dma_start3A_51 = tpu.memref_squeeze %dma_start3A_50 : memref<1x640x8xf32, #tpu.memory_space<hbm>> -> memref<640x8xf32, #tpu.memory_space<hbm>>
      %dma_start3A_52 = arith.constant 0 : i32
      %dma_start3A_53 = tpu.memref_slice %arg9[%mul3A_46, %dma_start3A_52] : memref<10240x8xf32, #tpu.memory_space<vmem_shared>> -> memref<640x8xf32, #tpu.memory_space<vmem_shared>>
      tpu.enqueue_dma source(%dma_start3A_53 : memref<640x8xf32, #tpu.memory_space<vmem_shared>>) target(%dma_start3A_51 : memref<640x8xf32, #tpu.memory_space<hbm>>) target_semaphore(%run_scoped3A_49 : memref<!tpu.dma_semaphore, #tpu.memory_space<semaphore_mem>>)
      %dma_wait3A_54 = arith.constant 0 : i32
      %dma_wait3A_55 = tpu.memref_slice %arg5[%arg0, %mul3A_48, %dma_wait3A_54] : memref<2x10240x8xf32, #tpu.memory_space<hbm>> -> memref<1x640x8xf32, #tpu.memory_space<hbm>>
      %dma_wait3A_56 = tpu.memref_squeeze %dma_wait3A_55 : memref<1x640x8xf32, #tpu.memory_space<hbm>> -> memref<640x8xf32, #tpu.memory_space<hbm>>
      %dma_wait3A_57 = arith.constant 0 : i32
      %dma_wait3A_58 = tpu.memref_slice %arg9[%mul3A_46, %dma_wait3A_57] : memref<10240x8xf32, #tpu.memory_space<vmem_shared>> -> memref<640x8xf32, #tpu.memory_space<vmem_shared>>
      tpu.wait_dma2 semaphore(%run_scoped3A_49 : memref<!tpu.dma_semaphore, #tpu.memory_space<semaphore_mem>>) src(%dma_wait3A_58 : memref<640x8xf32, #tpu.memory_space<vmem_shared>>) dst(%dma_wait3A_56 : memref<640x8xf32, #tpu.memory_space<hbm>>)
      tpu.yield
    }) : () -> ()
    return
  }
}

module attributes {stable_mosaic.version = 14 : i64} {
  func.func @_scale_body(%arg0: i32, %arg1: memref<2x2048x8xf32, #tpu.memory_space<vmem>>, %arg2: memref<2048x64xf32, #tpu.memory_space<vmem>>, %arg3: memref<2048x64xf32, #tpu.memory_space<vmem>>, %arg4: memref<2048x16xf32, #tpu.memory_space<vmem>>) attributes {dimension_semantics = [#tpu.dimension_semantics<arbitrary>], iteration_bounds = array<i64: 5>, scalar_prefetch = 0 : i64, scratch_operands = 0 : i64, tpu.core_type = #tpu.core_type<tc>, window_params = [{transform_indices = @transform_0, window_bounds = array<i64: 2, 2048, 8>}, {transform_indices = @transform_1, window_bounds = array<i64: 2048, 64>}, {transform_indices = @transform_2, window_bounds = array<i64: 2048, 64>}, {transform_indices = @transform_3, window_bounds = array<i64: 2048, 16>}]} {
    %get3A = arith.constant 0 : index
    %get3A_0 = arith.constant 0 : index
    %get3A_1 = arith.constant 0 : index
    %get3A_2 = vector.load %arg1[%get3A, %get3A_0, %get3A_1] : memref<2x2048x8xf32, #tpu.memory_space<vmem>>, vector<1x2048x1xf32>
    %get3A_3 = vector.shape_cast %get3A_2 : vector<1x2048x1xf32> to vector<2048x1xf32>
    %get3A_4 = arith.constant 1 : index
    %get3A_5 = arith.constant 0 : index
    %get3A_6 = arith.constant 0 : index
    %get3A_7 = vector.load %arg1[%get3A_4, %get3A_5, %get3A_6] : memref<2x2048x8xf32, #tpu.memory_space<vmem>>, vector<1x2048x1xf32>
    %get3A_8 = vector.shape_cast %get3A_7 : vector<1x2048x1xf32> to vector<2048x1xf32>
    %add3A = arith.addf %get3A_3, %get3A_8 : vector<2048x1xf32>
    %add3A_9 = arith.constant 1.000000e+00 : f32
    %add3A_10 = vector.broadcast %add3A_9 : f32 to vector<2048x1xf32>
    %add3A_11 = arith.addf %add3A, %add3A_10 : vector<2048x1xf32>
    %rsqrt3A = math.rsqrt %add3A_11 : vector<2048x1xf32>
    %get3A_12 = arith.constant 0 : index
    %get3A_13 = arith.constant 0 : index
    %get3A_14 = vector.load %arg2[%get3A_12, %get3A_13] : memref<2048x64xf32, #tpu.memory_space<vmem>>, vector<2048x64xf32>
    %mul3A = vector.broadcast %rsqrt3A : vector<2048x1xf32> to vector<2048x64xf32>
    %mul3A_15 = arith.mulf %mul3A, %get3A_14 : vector<2048x64xf32>
    %swap3A = arith.constant 0 : index
    %swap3A_16 = arith.constant 0 : index
    %swap3A_17 = vector.load %arg3[%swap3A, %swap3A_16] : memref<2048x64xf32, #tpu.memory_space<vmem>>, vector<2048x64xf32>
    tpu.vector_store %arg3[%swap3A, %swap3A_16], %mul3A_15 {strides = array<i32>} : memref<2048x64xf32, #tpu.memory_space<vmem>>, vector<2048x64xf32>,
    %broadcast_in_dim3A = vector.shape_cast %rsqrt3A : vector<2048x1xf32> to vector<2048x1xf32>
    %broadcast_in_dim3A_18 = vector.broadcast %broadcast_in_dim3A : vector<2048x1xf32> to vector<2048x16xf32>
    %swap3A_19 = arith.constant 0 : index
    %swap3A_20 = arith.constant 0 : index
    %swap3A_21 = vector.load %arg4[%swap3A_19, %swap3A_20] : memref<2048x16xf32, #tpu.memory_space<vmem>>, vector<2048x16xf32>
    tpu.vector_store %arg4[%swap3A_19, %swap3A_20], %broadcast_in_dim3A_18 {strides = array<i32>} : memref<2048x16xf32, #tpu.memory_space<vmem>>, vector<2048x16xf32>,
    return
  }
  func.func @transform_0(%arg0: i32) -> (i32, i32, i32) {
    %c0_i32 = arith.constant 0 : i32
    %c0_i32_0 = arith.constant 0 : i32
    %c0_i32_1 = arith.constant 0 : i32
    return %c0_i32, %arg0, %c0_i32_0 : i32, i32, i32
  }
  func.func @transform_1(%arg0: i32) -> (i32, i32) {
    %c0_i32 = arith.constant 0 : i32
    %c0_i32_0 = arith.constant 0 : i32
    return %arg0, %c0_i32 : i32, i32
  }
  func.func @transform_2(%arg0: i32) -> (i32, i32) {
    %c0_i32 = arith.constant 0 : i32
    %c0_i32_0 = arith.constant 0 : i32
    return %arg0, %c0_i32 : i32, i32
  }
  func.func @transform_3(%arg0: i32) -> (i32, i32) {
    %c0_i32 = arith.constant 0 : i32
    %c0_i32_0 = arith.constant 0 : i32
    return %arg0, %c0_i32 : i32, i32
  }
}

module attributes {stable_mosaic.version = 14 : i64} {
  func.func @_proj_body(%arg0: i32, %arg1: memref<2048x128xf32, #tpu.memory_space<vmem>>, %arg2: memref<128x64xf32, #tpu.memory_space<vmem>>, %arg3: memref<128x32xf32, #tpu.memory_space<vmem>>, %arg4: memref<1x32xf32, #tpu.memory_space<vmem>>, %arg5: memref<2048x64xf32, #tpu.memory_space<vmem>>, %arg6: memref<2048x32xf32, #tpu.memory_space<vmem>>) attributes {dimension_semantics = [#tpu.dimension_semantics<arbitrary>], iteration_bounds = array<i64: 5>, scalar_prefetch = 0 : i64, scratch_operands = 0 : i64, tpu.core_type = #tpu.core_type<tc>, window_params = [{transform_indices = @transform_0, window_bounds = array<i64: 2048, 128>}, {pipeline_mode = #tpu.pipeline_mode<synchronous>, transform_indices = @transform_1, window_bounds = array<i64: 128, 64>}, {pipeline_mode = #tpu.pipeline_mode<synchronous>, transform_indices = @transform_2, window_bounds = array<i64: 128, 32>}, {pipeline_mode = #tpu.pipeline_mode<synchronous>, transform_indices = @transform_3, window_bounds = array<i64: 1, 32>}, {transform_indices = @transform_4, window_bounds = array<i64: 2048, 64>}, {transform_indices = @transform_5, window_bounds = array<i64: 2048, 32>}]} {
    %get3A = arith.constant 0 : index
    %get3A_0 = arith.constant 0 : index
    %get3A_1 = vector.load %arg1[%get3A, %get3A_0] : memref<2048x128xf32, #tpu.memory_space<vmem>>, vector<2048x128xf32>
    %get3A_2 = arith.constant 0 : index
    %get3A_3 = arith.constant 0 : index
    %get3A_4 = vector.load %arg2[%get3A_2, %get3A_3] : memref<128x64xf32, #tpu.memory_space<vmem>>, vector<128x64xf32>
    %dot_general3A = arith.constant dense<0.000000e+00> : vector<2048x64xf32>
    %dot_general3A_5 = tpu.matmul %get3A_1, %get3A_4, %dot_general3A {dimension_numbers = #tpu.dot_dimension_numbers<[1], [0], [0], [1], [0, 0, 1, 1], [], []>, transpose_lhs_hint = false} : vector<2048x128xf32>, vector<128x64xf32>, vector<2048x64xf32> -> vector<2048x64xf32>
    %swap3A = arith.constant 0 : index
    %swap3A_6 = arith.constant 0 : index
    %swap3A_7 = vector.load %arg5[%swap3A, %swap3A_6] : memref<2048x64xf32, #tpu.memory_space<vmem>>, vector<2048x64xf32>
    tpu.vector_store %arg5[%swap3A, %swap3A_6], %dot_general3A_5 {strides = array<i32>} : memref<2048x64xf32, #tpu.memory_space<vmem>>, vector<2048x64xf32>,
    %get3A_8 = arith.constant 0 : index
    %get3A_9 = arith.constant 0 : index
    %get3A_10 = vector.load %arg3[%get3A_8, %get3A_9] : memref<128x32xf32, #tpu.memory_space<vmem>>, vector<128x32xf32>
    %dot_general3A_11 = arith.constant dense<0.000000e+00> : vector<2048x32xf32>
    %dot_general3A_12 = tpu.matmul %get3A_1, %get3A_10, %dot_general3A_11 {dimension_numbers = #tpu.dot_dimension_numbers<[1], [0], [0], [1], [0, 0, 1, 1], [], []>, transpose_lhs_hint = false} : vector<2048x128xf32>, vector<128x32xf32>, vector<2048x32xf32> -> vector<2048x32xf32>
    %get3A_13 = arith.constant 0 : index
    %get3A_14 = arith.constant 0 : index
    %get3A_15 = vector.load %arg4[%get3A_13, %get3A_14] : memref<1x32xf32, #tpu.memory_space<vmem>>, vector<1x32xf32>
    %add3A = vector.broadcast %get3A_15 : vector<1x32xf32> to vector<2048x32xf32>
    %add3A_16 = arith.addf %dot_general3A_12, %add3A : vector<2048x32xf32>
    %swap3A_17 = arith.constant 0 : index
    %swap3A_18 = arith.constant 0 : index
    %swap3A_19 = vector.load %arg6[%swap3A_17, %swap3A_18] : memref<2048x32xf32, #tpu.memory_space<vmem>>, vector<2048x32xf32>
    tpu.vector_store %arg6[%swap3A_17, %swap3A_18], %add3A_16 {strides = array<i32>} : memref<2048x32xf32, #tpu.memory_space<vmem>>, vector<2048x32xf32>,
    return
  }
  func.func @transform_0(%arg0: i32) -> (i32, i32) {
    %c0_i32 = arith.constant 0 : i32
    %c0_i32_0 = arith.constant 0 : i32
    return %arg0, %c0_i32 : i32, i32
  }
  func.func @transform_1(%arg0: i32) -> (i32, i32) {
    %c0_i32 = arith.constant 0 : i32
    %c0_i32_0 = arith.constant 0 : i32
    %c0_i32_1 = arith.constant 0 : i32
    return %c0_i32, %c0_i32_0 : i32, i32
  }
  func.func @transform_2(%arg0: i32) -> (i32, i32) {
    %c0_i32 = arith.constant 0 : i32
    %c0_i32_0 = arith.constant 0 : i32
    %c0_i32_1 = arith.constant 0 : i32
    return %c0_i32, %c0_i32_0 : i32, i32
  }
  func.func @transform_3(%arg0: i32) -> (i32, i32) {
    %c0_i32 = arith.constant 0 : i32
    %c0_i32_0 = arith.constant 0 : i32
    %c0_i32_1 = arith.constant 0 : i32
    return %c0_i32, %c0_i32_0 : i32, i32
  }
  func.func @transform_4(%arg0: i32) -> (i32, i32) {
    %c0_i32 = arith.constant 0 : i32
    %c0_i32_0 = arith.constant 0 : i32
    return %arg0, %c0_i32 : i32, i32
  }
  func.func @transform_5(%arg0: i32) -> (i32, i32) {
    %c0_i32 = arith.constant 0 : i32
    %c0_i32_0 = arith.constant 0 : i32
    return %arg0, %c0_i32 : i32, i32
  }
}

module attributes {stable_mosaic.version = 14 : i64} {
  func.func @_head_body(%arg0: i32, %arg1: memref<2x2048x64xf32, #tpu.memory_space<vmem>>, %arg2: memref<2048x64xf32, #tpu.memory_space<vmem>>, %arg3: memref<2048x16xf32, #tpu.memory_space<vmem>>, %arg4: memref<2048x32xf32, #tpu.memory_space<vmem>>, %arg5: memref<1x64xf32, #tpu.memory_space<vmem>>, %arg6: memref<64x32xf32, #tpu.memory_space<vmem>>, %arg7: memref<1x32xf32, #tpu.memory_space<vmem>>, %arg8: memref<32x7xf32, #tpu.memory_space<vmem>>, %arg9: memref<1x7xf32, #tpu.memory_space<vmem>>, %arg10: memref<2048x7xf32, #tpu.memory_space<vmem>>, %arg11: memref<2048xf32, #tpu.memory_space<vmem>>, %arg12: memref<2048x32xf32, #tpu.memory_space<vmem>>) attributes {dimension_semantics = [#tpu.dimension_semantics<arbitrary>], iteration_bounds = array<i64: 5>, scalar_prefetch = 0 : i64, scratch_operands = 0 : i64, tpu.core_type = #tpu.core_type<tc>, window_params = [{transform_indices = @transform_0, window_bounds = array<i64: 2, 2048, 64>}, {transform_indices = @transform_1, window_bounds = array<i64: 2048, 64>}, {transform_indices = @transform_2, window_bounds = array<i64: 2048, 16>}, {transform_indices = @transform_3, window_bounds = array<i64: 2048, 32>}, {pipeline_mode = #tpu.pipeline_mode<synchronous>, transform_indices = @transform_4, window_bounds = array<i64: 1, 64>}, {pipeline_mode = #tpu.pipeline_mode<synchronous>, transform_indices = @transform_5, window_bounds = array<i64: 64, 32>}, {pipeline_mode = #tpu.pipeline_mode<synchronous>, transform_indices = @transform_6, window_bounds = array<i64: 1, 32>}, {pipeline_mode = #tpu.pipeline_mode<synchronous>, transform_indices = @transform_7, window_bounds = array<i64: 32, 7>}, {pipeline_mode = #tpu.pipeline_mode<synchronous>, transform_indices = @transform_8, window_bounds = array<i64: 1, 7>}, {transform_indices = @transform_9, window_bounds = array<i64: 2048, 7>}, {transform_indices = @transform_10, window_bounds = array<i64: 2048>}, {transform_indices = @transform_11, window_bounds = array<i64: 2048, 32>}]} {
    %get3A = arith.constant 0 : index
    %get3A_0 = arith.constant 0 : index
    %get3A_1 = vector.load %arg3[%get3A, %get3A_0] : memref<2048x16xf32, #tpu.memory_space<vmem>>, vector<2048x1xf32>
    %get3A_2 = arith.constant 0 : index
    %get3A_3 = arith.constant 0 : index
    %get3A_4 = arith.constant 0 : index
    %get3A_5 = vector.load %arg1[%get3A_2, %get3A_3, %get3A_4] : memref<2x2048x64xf32, #tpu.memory_space<vmem>>, vector<1x2048x64xf32>
    %get3A_6 = vector.shape_cast %get3A_5 : vector<1x2048x64xf32> to vector<2048x64xf32>
    %get3A_7 = arith.constant 1 : index
    %get3A_8 = arith.constant 0 : index
    %get3A_9 = arith.constant 0 : index
    %get3A_10 = vector.load %arg1[%get3A_7, %get3A_8, %get3A_9] : memref<2x2048x64xf32, #tpu.memory_space<vmem>>, vector<1x2048x64xf32>
    %get3A_11 = vector.shape_cast %get3A_10 : vector<1x2048x64xf32> to vector<2048x64xf32>
    %add3A = arith.addf %get3A_6, %get3A_11 : vector<2048x64xf32>
    %get3A_12 = arith.constant 0 : index
    %get3A_13 = arith.constant 0 : index
    %get3A_14 = vector.load %arg2[%get3A_12, %get3A_13] : memref<2048x64xf32, #tpu.memory_space<vmem>>, vector<2048x64xf32>
    %add3A_15 = arith.addf %add3A, %get3A_14 : vector<2048x64xf32>
    %mul3A = vector.broadcast %get3A_1 : vector<2048x1xf32> to vector<2048x64xf32>
    %mul3A_16 = arith.mulf %mul3A, %add3A_15 : vector<2048x64xf32>
    %get3A_17 = arith.constant 0 : index
    %get3A_18 = arith.constant 0 : index
    %get3A_19 = vector.load %arg5[%get3A_17, %get3A_18] : memref<1x64xf32, #tpu.memory_space<vmem>>, vector<1x64xf32>
    %add3A_20 = vector.broadcast %get3A_19 : vector<1x64xf32> to vector<2048x64xf32>
    %add3A_21 = arith.addf %mul3A_16, %add3A_20 : vector<2048x64xf32>
    %max3A = arith.constant 0.000000e+00 : f32
    %max3A_22 = vector.broadcast %max3A : f32 to vector<2048x64xf32>
    %max3A_23 = arith.maximumf %add3A_21, %max3A_22 : vector<2048x64xf32>
    %get3A_24 = arith.constant 0 : index
    %get3A_25 = arith.constant 0 : index
    %get3A_26 = vector.load %arg6[%get3A_24, %get3A_25] : memref<64x32xf32, #tpu.memory_space<vmem>>, vector<64x32xf32>
    %dot_general3A = arith.constant dense<0.000000e+00> : vector<2048x32xf32>
    %dot_general3A_27 = tpu.matmul %max3A_23, %get3A_26, %dot_general3A {dimension_numbers = #tpu.dot_dimension_numbers<[1], [0], [0], [1], [0, 0, 1, 1], [], []>, transpose_lhs_hint = false} : vector<2048x64xf32>, vector<64x32xf32>, vector<2048x32xf32> -> vector<2048x32xf32>
    %get3A_28 = arith.constant 0 : index
    %get3A_29 = arith.constant 0 : index
    %get3A_30 = vector.load %arg7[%get3A_28, %get3A_29] : memref<1x32xf32, #tpu.memory_space<vmem>>, vector<1x32xf32>
    %add3A_31 = vector.broadcast %get3A_30 : vector<1x32xf32> to vector<2048x32xf32>
    %add3A_32 = arith.addf %dot_general3A_27, %add3A_31 : vector<2048x32xf32>
    %get3A_33 = arith.constant 0 : index
    %get3A_34 = arith.constant 0 : index
    %get3A_35 = vector.load %arg8[%get3A_33, %get3A_34] : memref<32x7xf32, #tpu.memory_space<vmem>>, vector<32x7xf32>
    %dot_general3A_36 = arith.constant dense<0.000000e+00> : vector<2048x7xf32>
    %dot_general3A_37 = tpu.matmul %add3A_32, %get3A_35, %dot_general3A_36 {dimension_numbers = #tpu.dot_dimension_numbers<[1], [0], [0], [1], [0, 0, 1, 1], [], []>, transpose_lhs_hint = false} : vector<2048x32xf32>, vector<32x7xf32>, vector<2048x7xf32> -> vector<2048x7xf32>
    %get3A_38 = arith.constant 0 : index
    %get3A_39 = arith.constant 0 : index
    %get3A_40 = vector.load %arg9[%get3A_38, %get3A_39] : memref<1x7xf32, #tpu.memory_space<vmem>>, vector<1x7xf32>
    %add3A_41 = vector.broadcast %get3A_40 : vector<1x7xf32> to vector<2048x7xf32>
    %add3A_42 = arith.addf %dot_general3A_37, %add3A_41 : vector<2048x7xf32>
    %swap3A = arith.constant 0 : index
    %swap3A_43 = arith.constant 0 : index
    %swap3A_44 = vector.load %arg10[%swap3A, %swap3A_43] : memref<2048x7xf32, #tpu.memory_space<vmem>>, vector<2048x7xf32>
    tpu.vector_store %arg10[%swap3A, %swap3A_43], %add3A_42 {strides = array<i32>} : memref<2048x7xf32, #tpu.memory_space<vmem>>, vector<2048x7xf32>,
    %get3A_45 = arith.constant 0 : index
    %get3A_46 = arith.constant 0 : index
    %get3A_47 = vector.load %arg4[%get3A_45, %get3A_46] : memref<2048x32xf32, #tpu.memory_space<vmem>>, vector<2048x32xf32>
    %sub3A = arith.subf %add3A_32, %get3A_47 : vector<2048x32xf32>
    %mul3A_48 = arith.mulf %sub3A, %sub3A : vector<2048x32xf32>
    %reduce_sum3A = arith.constant dense<0.000000e+00> : vector<2048xf32>
    %reduce_sum3A_49 = vector.multi_reduction <add>, %mul3A_48, %reduce_sum3A [1] : vector<2048x32xf32> to vector<2048xf32>
    %sqrt3A = math.sqrt %reduce_sum3A_49 : vector<2048xf32>
    %swap3A_50 = arith.constant 0 : index
    %swap3A_51 = vector.load %arg11[%swap3A_50] : memref<2048xf32, #tpu.memory_space<vmem>>, vector<2048xf32>
    tpu.vector_store %arg11[%swap3A_50], %sqrt3A {strides = array<i32>} : memref<2048xf32, #tpu.memory_space<vmem>>, vector<2048xf32>,
    %swap3A_52 = arith.constant 0 : index
    %swap3A_53 = arith.constant 0 : index
    %swap3A_54 = vector.load %arg12[%swap3A_52, %swap3A_53] : memref<2048x32xf32, #tpu.memory_space<vmem>>, vector<2048x32xf32>
    tpu.vector_store %arg12[%swap3A_52, %swap3A_53], %add3A_32 {strides = array<i32>} : memref<2048x32xf32, #tpu.memory_space<vmem>>, vector<2048x32xf32>,
    return
  }
  func.func @transform_0(%arg0: i32) -> (i32, i32, i32) {
    %c0_i32 = arith.constant 0 : i32
    %c0_i32_0 = arith.constant 0 : i32
    %c0_i32_1 = arith.constant 0 : i32
    return %c0_i32, %arg0, %c0_i32_0 : i32, i32, i32
  }
  func.func @transform_1(%arg0: i32) -> (i32, i32) {
    %c0_i32 = arith.constant 0 : i32
    %c0_i32_0 = arith.constant 0 : i32
    return %arg0, %c0_i32 : i32, i32
  }
  func.func @transform_2(%arg0: i32) -> (i32, i32) {
    %c0_i32 = arith.constant 0 : i32
    %c0_i32_0 = arith.constant 0 : i32
    return %arg0, %c0_i32 : i32, i32
  }
  func.func @transform_3(%arg0: i32) -> (i32, i32) {
    %c0_i32 = arith.constant 0 : i32
    %c0_i32_0 = arith.constant 0 : i32
    return %arg0, %c0_i32 : i32, i32
  }
  func.func @transform_4(%arg0: i32) -> (i32, i32) {
    %c0_i32 = arith.constant 0 : i32
    %c0_i32_0 = arith.constant 0 : i32
    %c0_i32_1 = arith.constant 0 : i32
    return %c0_i32, %c0_i32_0 : i32, i32
  }
  func.func @transform_5(%arg0: i32) -> (i32, i32) {
    %c0_i32 = arith.constant 0 : i32
    %c0_i32_0 = arith.constant 0 : i32
    %c0_i32_1 = arith.constant 0 : i32
    return %c0_i32, %c0_i32_0 : i32, i32
  }
  func.func @transform_6(%arg0: i32) -> (i32, i32) {
    %c0_i32 = arith.constant 0 : i32
    %c0_i32_0 = arith.constant 0 : i32
    %c0_i32_1 = arith.constant 0 : i32
    return %c0_i32, %c0_i32_0 : i32, i32
  }
  func.func @transform_7(%arg0: i32) -> (i32, i32) {
    %c0_i32 = arith.constant 0 : i32
    %c0_i32_0 = arith.constant 0 : i32
    %c0_i32_1 = arith.constant 0 : i32
    return %c0_i32, %c0_i32_0 : i32, i32
  }
  func.func @transform_8(%arg0: i32) -> (i32, i32) {
    %c0_i32 = arith.constant 0 : i32
    %c0_i32_0 = arith.constant 0 : i32
    %c0_i32_1 = arith.constant 0 : i32
    return %c0_i32, %c0_i32_0 : i32, i32
  }
  func.func @transform_9(%arg0: i32) -> (i32, i32) {
    %c0_i32 = arith.constant 0 : i32
    %c0_i32_0 = arith.constant 0 : i32
    return %arg0, %c0_i32 : i32, i32
  }
  func.func @transform_10(%arg0: i32) -> i32 {
    %c0_i32 = arith.constant 0 : i32
    return %arg0 : i32
  }
  func.func @transform_11(%arg0: i32) -> (i32, i32) {
    %c0_i32 = arith.constant 0 : i32
    %c0_i32_0 = arith.constant 0 : i32
    return %arg0, %c0_i32 : i32, i32
  }
}

</mosaic_0001>

<sc_bundles>
// kernel: kernel.10.cloned.1.call-start
scs
__scs_entry_jumppad:
0x0: {  	(pc) =	sbr.rel $0x88, $3  }
0x1: {  	(tag) =	ssettag $0x0;
	lr =	simm.s32 $0x1  }
0x2: {  	[smem:$0x3F97] =	sst lr;
	_ =	strace $0xD0000000  }
0x3: {  	_ = 	snop  }
0x4: {  	_ = 	snop  }
0x5: {  	_ = 	snop  }
0x6: {  	_ = 	snop  }
0x7: {  	_ = 	snop  }
__scs_overlays_trampoline_lowered:
0x8: {  	[smem:$0x3FA6] =	sst s0  }
0x9: {  	[smem:$0x3FA7] =	sst s1  }
0xa: {  	[smem:$0x3FA8] =	sst s2  }
0xb: {  	[smem:$0x3FA9] =	sst s3  }
0xc: {  	[smem:$0x3FAA] =	sst s4  }
0xd: {  	[smem:$0x3FAB] =	sst s5  }
0xe: {  	[smem:$0x3FAC] =	sst s6  }
0xf: {  	[smem:$0x3FAD] =	sst s7  }
0x10: {  	[smem:$0x3FAE] =	sst s8  }
0x11: {  	[smem:$0x3FAF] =	sst s9;
	s0 =	simm.s32 @!p0 $0x0  }
0x12: {  	s1 =	sld [smem:$0x3F95];
	s0 =	simm.s32 @p0 $0x1  }
0x13: {  	[smem:$0x3FB0] =	sst s0;
	s0 =	simm.s32 @!p1 $0x0  }
0x14: {  	s2 =	sld [smem:$0x3F94];
	s0 =	simm.s32 @p1 $0x1  }
0x15: {  	[smem:$0x3FB1] =	sst s0;
	s0 =	simm.s32 @!p2 $0x0  }
0x16: {  	s3 =	sld [smem:$0x3FDB];
	s0 =	simm.s32 @p2 $0x1  }
0x17: {  	s4 =	simm.s32 $0x1BF5;
	[smem:$0x3FB3] =	sst s0  }
0x18: {  	s0 =	sld [smem:$0x3F96];
	_ =	swait.ge [sflag:s4], $0x0  }
0x19: {  	s7 =	sld [smem:$0x3F97]  }
0x1a: {  	s8 =	sadd.s32 $0xFFFFE003, lr  }
0x1b: {  	s9 =	sadd.s32 $0xFFFFFEF7, lr;
	s5 =	simm.s32 $0xFFFFFFFF;
	p2 =	slt.u32 s8, $0xFFFFF086  }
0x1c: {  	p1 =	slt.u32 s9, $0xF7A;
	s5 =	simm.s32 @!p2 $0x0  }
0x1d: {  	s5 =	simm.s32 @p1 $0x1;
	p0 =	seq.s32 s7, s2  }
0x1e: {  	s7 =	smul.u32 @!p0 $0xF7A, s2;
	p2 =	seq.s32 @!p0 s5, $0x0  }
0x1f: {  	s9 =	smul.u32 $0xF7A, s1;
	s8 =	simm.s32 @!p0 $0x1BF5;
	p2 =	por !p2, p0  }
0x20: {  	[sflag:s8] =	ssyncset.s32 @!p0 $0xFFFFF086;
	s6 =	sadd.s32 @!p0 s3, s7;
	s7 =	simm.s32 @!p0 $0x108  }
0x21: {  	s3 =	sadd.s32 s3, s9;
	s6 =	sadd.s32 @!p0 $0x88, s6;
	s7 =	simm.s32 @p2 $0x1082  }
0x22: {  	[simem:s7], [sflag:s8] =	dma.local @!p0 [hbm:s6], $0xF7A  }
0x23: {  	s9 =	sor.u32 $0xD0000000, s2;
	s6 =	simm.s32 $0x108;
	_ =	swait.ge @!p0 [sflag:s8], $0x0  }
0x24: {  	s3 =	sadd.s32 $0x88, s3;
	s6 =	simm.s32 @!p1 $0x1082;
	[sflag:s4] =	ssyncset.s32 $0xFFFFF086  }
0x25: {  	[simem:s6], [sflag:s4] =	dma.local [hbm:s3], $0xF7A  }
0x26: {  	[smem:$0x3F97] =	sst s1;
	(tag) =	ssettag s2;
	_ =	strace s9  }
0x27: {  	s1 =	sld [smem:$0x3FA7]  }
0x28: {  	s2 =	sld [smem:$0x3FA8]  }
0x29: {  	s4 =	sld [smem:$0x3FAA]  }
0x2a: {  	p0 =	seq.s32 s5, $0x0;
	s5 =	sld [smem:$0x3FAB]  }
0x2b: {  	s6 =	sld [smem:$0x3FAC]  }
0x2c: {  	s7 =	sld [smem:$0x3FAD]  }
0x2d: {  	s3 =	simm.s32 $0x108;
	s8 =	sld [smem:$0x3FAE]  }
0x2e: {  	s3 =	simm.s32 @!p0 $0x1082;
	s9 =	sld [smem:$0x3FAF]  }
0x2f: {  	lr =	sadd.s32 s0, s3;
	s0 =	sld [smem:$0x3FA6]  }
0x30: {  	s3 =	sld [smem:$0x3FA9]  }
0x31: {  	[smem:$0x3FB2] =	sst s10  }
0x32: {  	s10 =	sld [smem:$0x3FB0];
	_ =	sdelay $0x3  }
0x33: {  	p0 =	seq.s32 s10, $0x1;
	s10 =	sld [smem:$0x3FB2];
	_ =	sdelay $0x3  }
0x34: {  	[smem:$0x3FB2] =	sst s10  }
0x35: {  	s10 =	sld [smem:$0x3FB1];
	_ =	sdelay $0x3  }
0x36: {  	p1 =	seq.s32 s10, $0x1;
	s10 =	sld [smem:$0x3FB2];
	_ =	sdelay $0x3  }
0x37: {  	[smem:$0x3FB2] =	sst s10  }
0x38: {  	s10 =	sld [smem:$0x3FB3]  }
0x39: {  	_ = 	snop;
	(pc) =	sbr.ind lr, $3  }
0x3a: {  	_ = 	snop  }
0x3b: {  	_ = 	snop  }
0x3c: {  	p2 =	seq.s32 s10, $0x1;
	s10 =	sld [smem:$0x3FB2]  }
0x3d: {  	_ =	shalt  }
0x3e: {  	_ =	shalt  }
0x3f: {  	_ =	shalt  }
0x40: {  	_ =	shalt  }
0x41: {  	_ =	shalt  }
0x42: {  	_ =	shalt  }
0x43: {  	_ =	shalt  }
0x44: {  	_ =	shalt  }
0x45: {  	_ =	shalt  }
0x46: {  	_ =	shalt  }
0x47: {  	_ =	shalt  }
0x48: {  	_ =	shalt  }
0x49: {  	_ =	shalt  }
0x4a: {  	_ =	shalt  }
0x4b: {  	_ =	shalt  }
0x4c: {  	_ =	shalt  }
0x4d: {  	_ =	shalt  }
0x4e: {  	_ =	shalt  }
0x4f: {  	_ =	shalt  }
0x50: {  	_ =	shalt  }
0x51: {  	_ =	shalt  }
0x52: {  	_ =	shalt  }
0x53: {  	_ =	shalt  }
0x54: {  	_ =	shalt  }
0x55: {  	_ =	shalt  }
0x56: {  	_ =	shalt  }
0x57: {  	_ =	shalt  }
0x58: {  	_ =	shalt  }
0x59: {  	_ =	shalt  }
0x5a: {  	_ =	shalt  }
0x5b: {  	_ =	shalt  }
0x5c: {  	_ =	shalt  }
0x5d: {  	_ =	shalt  }
0x5e: {  	_ =	shalt  }
0x5f: {  	_ =	shalt  }
0x60: {  	_ =	shalt  }
0x61: {  	_ =	shalt  }
0x62: {  	_ =	shalt  }
0x63: {  	_ =	shalt  }
0x64: {  	_ =	shalt  }
0x65: {  	_ =	shalt  }
0x66: {  	_ =	shalt  }
0x67: {  	_ =	shalt  }
0x68: {  	_ =	shalt  }
0x69: {  	_ =	shalt  }
0x6a: {  	_ =	shalt  }
0x6b: {  	_ =	shalt  }
0x6c: {  	_ =	shalt  }
0x6d: {  	_ =	shalt  }
0x6e: {  	_ =	shalt  }
0x6f: {  	_ =	shalt  }
0x70: {  	_ =	shalt  }
0x71: {  	_ =	shalt  }
0x72: {  	_ =	shalt  }
0x73: {  	_ =	shalt  }
0x74: {  	_ =	shalt  }
0x75: {  	_ =	shalt  }
0x76: {  	_ =	shalt  }
0x77: {  	_ =	shalt  }
0x78: {  	_ =	shalt  }
0x79: {  	_ =	shalt  }
0x7a: {  	_ =	shalt  }
0x7b: {  	_ =	shalt  }
0x7c: {  	_ =	shalt  }
0x7d: {  	_ =	shalt  }
0x7e: {  	_ =	shalt  }
0x7f: {  	_ =	shalt  }
0x80: {  	_ =	shalt  }
0x81: {  	_ =	shalt  }
0x82: {  	_ =	shalt  }
0x83: {  	_ =	shalt  }
0x84: {  	_ =	shalt  }
0x85: {  	_ =	shalt  }
0x86: {  	_ =	shalt  }
0x87: {  	_ =	shalt  }
.Lfunc_end0:
.L_simem_size_0:
called_computation.1_lowered:
.L_overlay_start_0:
0x88: {  	s2 =	sld [smem:$0x3FD9]  }
0x89: {  	s3 =	sld [smem:$0x3FFE];
	_ =	sdelay $0x1  }
0x8a: {  	s1 =	srdreg.scid  }
0x8b: {  	s0 =	sand.u32 $0x1, s1  }
0x8c: {  	s14 =	sshll.u32 s0, $0xA;
	s2 =	sadd.s32 s3, s2  }
0x8d: {  	s2 =	sadd.s32 s2, s14  }
0x8e: {  	[smem:$0x3FBE] =	sst s2  }
0x8f: {  	_ = 	snop  }
0x90: {  	s2 =	sld [smem:$0x3FD0];
	_ =	sdelay $0x2  }
0x91: {  	s15 =	simm.s32 $0xA;
	s4 =	simm.s32 $0x10  }
0x92: {  	[smem:s4], [sflag:s15] =	dma.local [hbm:s2], $0x1  }
0x93: {  	_ =	swait.eq [sflag:s15], $0x1  }
0x94: {  	[sflag:s15] =	ssyncset.done $0x0  }
0x95: {  	[sflag:s15] =	ssyncadd.s32 $0xFFFFFFFF  }
0x96: {  	s16 =	sld [smem:$0x10];
	(tm) =	ssettm $0x1  }
0x97: {  	s17 =	sld [smem:$0x3FFB];
	_ =	sdelay $0x3  }
0x98: {  	_ =	strace s17  }
0x99: {  	s3 =	sld [smem:$0x3FFC];
	_ =	sdelay $0x3  }
0x9a: {  	_ =	strace s3  }
0x9b: {  	s3 =	sld [smem:$0x3FFD];
	_ =	sdelay $0x3  }
0x9c: {  	_ =	strace s3  }
0x9d: {  	_ =	strace $0x8FFFFFFF  }
0x9e: {  	s18 =	sld [smem:$0x3FDB];
	_ =	sdelay $0x1  }
0x9f: {  	s19 =	simm.s32 $_scs_section_size  }
0xa0: {  	s5 =	simm.s32 $_size__tile_overlayer_lowered;
	s6 =	simm.s32 $_tile_overlayer_lowered  }
0xa1: {  	s22 =	simm.s32 $0x1BFF;
	s21 =	sshll.u32 s6, $0x1;
	s3 =	sadd.s32 s19, s18  }
0xa2: {  	s7 =	simm.s32 $0x0;
	s20 =	sshll.u32 s5, $0x1;
	s5 =	sadd.s32 s21, s3  }
0xa3: {  	[timem:s7], [sflag:s22] =	dma.local [hbm:s5], s20  }
0xa4: {  	_ =	swait.ge [sflag:s22], s20  }
0xa5: {  	s4 =	ssub.s32 $0x0, s20;
	[sflag:s22] =	ssyncset.done $0x0  }
0xa6: {  	[sflag:s22] =	ssyncadd.s32 s4;
	_ =	sdelay $0x1  }
0xa7: {  	s23 =	simm.s32 $0x1B8B  }
0xa8: {  	_ =	swait.ge [sflag:s23], $0x1  }
0xa9: {  	[sflag:s23] =	ssyncset.done $0x0  }
0xaa: {  	s25 =	simm.s32 $0x1B8E;
	s24 =	sld [smem:$0x3FFE];
	[sflag:s23] =	ssyncadd.s32 $0xFFFFFFFF  }
0xab: {  	s26 =	simm.s32 $execute0_lowered;
	[smem:$0x3FD2] =	sst s25  }
0xac: {  	s5 =	sshll.u32 s26, $0x1;
	_ =	strace $0x80000049;
	[dreg:$0x1] =	wrdreg $0xFFFFFFFF  }
0xad: {  	s28 =	simm.s32 $_size_execute0_lowered;
	s3 =	sadd.s32 s3, s5;
	[dreg:$0x0] =	wrdreg $0x0  }
0xae: {  	s5 =	sshll.u32 s28, $0x1;
	[dreg:$0x2] =	wrdreg s3  }
0xaf: {  	[dreg:$0x3] =	wrdreg s5  }
0xb0: {  	[dreg:$0x4] =	wrdreg $0xC0  }
0xb1: {  	_ =	task [dreg:s7], $0x5FFFF  }
0xb2: {  	[dreg:$0x1] =	wrdreg $0xFFFFFFFF  }
0xb3: {  	[dreg:$0x0] =	wrdreg $0x60  }
0xb4: {  	[dreg:$0x2] =	wrdreg s24  }
0xb5: {  	[dreg:$0x3] =	wrdreg s16  }
0xb6: {  	[dreg:$0x4] =	wrdreg $0x14F000  }
0xb7: {  	[dreg:$0x5] =	wrdreg $0xAF000  }
0xb8: {  	[dreg:$0x6] =	wrdreg $0x9  }
0xb9: {  	_ =	task.clear_ibuf [dreg:s7], $0x7FFFF;
	_ =	strace $0x90000049  }
0xba: {  	s29 =	simm.s32 $0x9;
	_ =	strace $0x8000004B  }
0xbb: {  	_ =	swait.ge [sflag:s29], $0x1  }
0xbc: {  	[sflag:s29] =	ssyncadd.s32 $0xFFFFFFFF  }
0xbd: {  	_ =	strace $0x9000004B  }
0xbe: {  	_ =	sfence  }
0xbf: {  	s30 =	sld [smem:$0x0];
	_ =	sdelay $0x2  }
0xc0: {  	s31 =	sshll.u32 s1, $0xD;
	s1 =	sshrl.u32 s1, $0x2  }
0xc1: {  	s3 =	sand.u32 $0x4000, s31;
	s1 =	sadd.s32 s1, s30  }
0xc2: {  	s0 =	sor.u32 s3, s0;
	s1 =	sshll.u32 s1, $0x11  }
0xc3: {  	s0 =	sor.u32 s1, s0  }
0xc4: {  	s0 =	sadd.s32 $0x8F2B, s0  }
0xc5: {  	[sflag:s0] =	ssyncadd.remote.s32 $0x1  }
0xc6: {  	_ =	sfence.sel $0xFFFF  }
0xc7: {  	[dreg:$0x0] =	wrdreg $0xFFFFFFFF;
	(pc) =	sbr.abs _section_cstart, $3  }
0xc8: {  	[dreg:$0x1] =	wrdreg $0xFFFFFFFF  }
0xc9: {  	_ =	task.clear_ibuf [dreg:s7], $0x2FFFF;
	_ =	strace $0x9FFFFFFF  }
0xca: {  	(tm) =	ssettm $0x7FFFFFFF  }
0xcb: {  	_ =	shalt  }
tec
execute0_lowered:
.L_overlay_start_1:
0x0: {  	(tag) =	ssettag $0x1  }
0x1: {  	s0 =	rddreg [dreg:$0x0]  }
0x2: {  	s3 =	rddreg [dreg:$0x2]  }
0x3: {  	s4 =	rddreg [dreg:$0x3];
	s1 =	srdreg.scid  }
0x4: {  	s16 =	stileid.u32;
	s5 =	simm.s32 $0x0;
	s19 =	simm.s32 $0x80  }
0x5: {  	s20 =	simm.s32 $0x4F00;
	s21 =	simm.s32 $0x6F00;
	s22 =	simm.s32 $0x1  }
0x6: {  	s28 =	simm.s32 $0x4;
	s31 =	simm.s32 $0x5;
	s23 =	simm.s32 $0x3  }
0x7: {  	s30 =	simm.s32 $0x0;
	s1 =	sand.u32 $0x1, s1;
	s2 =	smul.u32 $0xA000, s16  }
0x8: {  	[smem:$0x7FF] =	sst s5;
	s9 =	sadd.s32 $0x2C00, s0;
	s29 =	sshll.u32 s16, $0x6  }
0x9: {  	s6 =	sshll.u32 s1, $0x4;
	s7 =	smul.u32 $0xA0000, s1;
	_ =	strace $0x8000004A  }
0xa: {  	s1 =	ssub.s32 $0x2, s1;
	s12 =	sor.u32 s16, s6;
	s24 =	sshrl.u32 s2, $0x3  }
0xb: {  	s26 =	sshrl.u32 s1, $0x1;
	s17 =	sadd.s32 s2, s3;
	s16 =	sor.u32 $0x1C07, s29  }
0xc: {  	s8 =	smul.u32 $0x4E, s12;
	s10 =	sadd.s32 s24, s0;
	s25 =	smin.u32 s12, $0x4  }
0xd: {  	s7 =	sadd.s32 s2, s7;
	s1 =	ssub.s32 s1, s26;
	p0 =	slt.u32 s12, $0x4  }
0xe: {  	s2 =	sadd.s32 s2, s4;
	s17 =	sshrl.u32 s17, $0x3;
	s26 =	simm.s32 $0x2  }
0xf: {  	s7 =	sshrl.u32 s7, $0x3;
	s18 =	sshrl.u32 s2, $0x3;
	s6 =	sadd.s32 s25, s8  }
0x10: {  	s11 =	sadd.s32 s7, s0;
	s0 =	sadd.s32 $0xC840, s0;
	s8 =	sadd.s32 $0x3E600, s10  }
0x11: {  	s10 =	simm.s32 $0x4C;
	s25 =	simm.s32 $0x8F00;
	s14 =	sshll.u32 s6, $0x4  }
0x12: {  	s10 =	simm.s32 @!p0 $0x4B;
	p0 =	sgt.u32 s12, $0x3;
	s12 =	simm.s32 $0x7  }
0x13: {  	s15 =	sadd.s32 $0x4E0, s14;
	s6 =	sadd.s32 s9, s14;
	s13 =	sadd.s32 @p0 s14, s0  }
0x14: {  	s14 =	sadd.s32 @!p0 s14, s0;
	s7 =	sadd.s32 s9, s15;
	s9 =	sadd.s32 $0x52600, s11  }
0x15: {  	s11 =	smax.u32 s1, $0x1;
	s15 =	sadd.s32 @!p0 s0, s15;
	s1 =	simm.s32 $0x6  }
.LBB2_1:
0x16: {  	[tilespmem:s5], [sflag:$0x7] =	stream.linear.gather [hbm4b:s6+s5], $0x2700, $0x38;
	[tilespmem:$0x1EF00] =	vst v63  }
0x17: {  	_ =	swait.ge [sflag:s12], $0x2700  }
0x18: {  	[sflag:s12] =	ssyncset.done $0x0  }
0x19: {  	s0 =	simm.s32 @p0 $0x0;
	s2 =	simm.s32 @p0 $0x2780;
	[sflag:s12] =	ssyncadd.s32 $0xFFFFD900  }
0x1a: {  	[tilespmem:s2], [sflag:$0x7] =	stream.linear.gather @p0 [hbm4b:s13+s0], $0x2700, $0x38;
	[tilespmem:$0x1EF00] =	vst v63  }
0x1b: {  	s0 =	simm.s32 @p0 $0x7  }
0x1c: {  	_ =	swait.ge @p0 [sflag:s0], $0x2700  }
0x1d: {  	[sflag:s0] =	ssyncset.done @p0 $0x0  }
0x1e: {  	s2 =	simm.s32 @!p0 $0x2700;
	[sflag:s0] =	ssyncadd.s32 @p0 $0xFFFFD900;
	s0 =	simm.s32 @!p0 $0x0  }
0x1f: {  	[tilespmem:s2], [sflag:$0x7] =	stream.linear.gather @!p0 [hbm4b:s7+s0], $0x80, $0x38;
	[tilespmem:$0x1EF00] =	vst v63  }
0x20: {  	s2 =	simm.s32 @!p0 $0x7  }
0x21: {  	_ =	swait.ge @!p0 [sflag:s2], $0x80  }
0x22: {  	[sflag:s2] =	ssyncset.done @!p0 $0x0  }
0x23: {  	s24 =	simm.s32 @!p0 $0x2780;
	[sflag:s2] =	ssyncadd.s32 @!p0 $0xFFFFFF80  }
0x24: {  	[tilespmem:s24], [sflag:$0x7] =	stream.linear.gather @!p0 [hbm4b:s14+s0], $0x2700, $0x38;
	[tilespmem:$0x1EF00] =	vst v63  }
0x25: {  	_ =	swait.ge @!p0 [sflag:s2], $0x2700  }
0x26: {  	[sflag:s2] =	ssyncset.done @!p0 $0x0  }
0x27: {  	s24 =	simm.s32 @!p0 $0x4E80;
	[sflag:s2] =	ssyncadd.s32 @!p0 $0xFFFFD900  }
0x28: {  	[tilespmem:s24], [sflag:$0x7] =	stream.linear.gather @!p0 [hbm4b:s15+s0], $0x80, $0x38;
	[tilespmem:$0x1EF00] =	vst v63  }
0x29: {  	_ =	swait.ge @!p0 [sflag:s2], $0x80  }
0x2a: {  	[sflag:s2] =	ssyncset.done @!p0 $0x0  }
0x2b: {  	[sflag:s2] =	ssyncadd.s32 @!p0 $0xFFFFFF80  }
0x2c: {  	[spmem:s17], [sflag:s16] =	dma.local [hbm:s8], $0x1400  }
0x2d: {  	_ =	swait.ge [sflag:s12], $0x1400  }
0x2e: {  	[sflag:s12] =	ssyncset.done $0x0  }
0x2f: {  	[sflag:s12] =	ssyncadd.s32 $0xFFFFEC00  }
0x30: {  	s2 =	rddreg [dreg:$0x1]  }
0x31: {  	[spmem:s18], [sflag:s16] =	dma.local [hbm:s2], $0x1400  }
0x32: {  	_ =	swait.ge [sflag:s12], $0x1400  }
0x33: {  	[sflag:s12] =	ssyncset.done $0x0  }
0x34: {  	[sflag:s12] =	ssyncadd.s32 $0xFFFFEC00  }
0x35: {  	[bflag:$0x0] =	sbarrier.arrive $0xFFFF  }
0x36: {  	[tilespmem:s20], [sflag:$0x1] =	stream.indirect.gather [spmem:s3], $0x40, s5, s19, $0xb8;
	[tilespmem:$0x1EF00] =	vst v63  }
0x37: {  	_ = 	snop  }
0x38: {  	[tilespmem:s21], [sflag:$0x2] =	stream.indirect.gather [spmem:s3], $0x40, s19, s19, $0xb8;
	[tilespmem:$0x1EF00] =	vst v63  }
0x39: {  	_ =	swait.ge [sflag:s22], $0x2000  }
0x3a: {  	[sflag:s22] =	ssyncset.done $0x0  }
0x3b: {  	s24 =	simm.s32 $0x2780;
	[sflag:s22] =	ssyncadd.s32 $0xFFFFE000  }
0x3c: {  	[spmem:s4] =	stream.indirect.scatter.add.f32 [tilespmem:s20], [sflag:$0x4], $0x40, s24, s19, $0xb8;
	[tilespmem:$0x1EF00] =	vst v63  }
0x3d: {  	s29 =	simm.s32 $0x100  }
0x3e: {  	[tilespmem:s25], [sflag:$0x3] =	stream.indirect.gather [spmem:s3], $0x40, s29, s19, $0xb8;
	[tilespmem:$0x1EF00] =	vst v63  }
0x3f: {  	_ =	swait.ge [sflag:s26], $0x2000  }
0x40: {  	[sflag:s26] =	ssyncset.done $0x0  }
0x41: {  	[sflag:s26] =	ssyncadd.s32 $0xFFFFE000  }
0x42: {  	_ =	swait.ge [sflag:s28], $0x2000  }
0x43: {  	[sflag:s28] =	ssyncset.done $0x0  }
0x44: {  	s2 =	simm.s32 $0x2800;
	[sflag:s28] =	ssyncadd.s32 $0xFFFFE000  }
0x45: {  	[spmem:s4] =	stream.indirect.scatter.add.f32 [tilespmem:s21], [sflag:$0x5], $0x40, s2, s19, $0xb8;
	[tilespmem:$0x1EF00] =	vst v63  }
0x46: {  	s24 =	simm.s32 $0x180  }
0x47: {  	[tilespmem:s20], [sflag:$0x1] =	stream.indirect.gather [spmem:s3], $0x40, s24, s19, $0xb8;
	[tilespmem:$0x1EF00] =	vst v63  }
0x48: {  	_ =	swait.ge [sflag:s23], $0x2000  }
0x49: {  	[sflag:s23] =	ssyncset.done $0x0  }
0x4a: {  	[sflag:s23] =	ssyncadd.s32 $0xFFFFE000  }
0x4b: {  	_ =	swait.ge [sflag:s31], $0x2000  }
0x4c: {  	[sflag:s31] =	ssyncset.done $0x0  }
0x4d: {  	s29 =	simm.s32 $0x2880;
	[sflag:s31] =	ssyncadd.s32 $0xFFFFE000  }
0x4e: {  	[spmem:s4] =	stream.indirect.scatter.add.f32 [tilespmem:s25], [sflag:$0x6], $0x40, s29, s19, $0xb8;
	[tilespmem:$0x1EF00] =	vst v63  }
0x4f: {  	s2 =	simm.s32 $0x200  }
0x50: {  	[tilespmem:s21], [sflag:$0x2] =	stream.indirect.gather [spmem:s3], $0x40, s2, s19, $0xb8;
	[tilespmem:$0x1EF00] =	vst v63  }
0x51: {  	_ =	swait.ge [sflag:s22], $0x2000  }
0x52: {  	[sflag:s22] =	ssyncset.done $0x0  }
0x53: {  	[sflag:s22] =	ssyncadd.s32 $0xFFFFE000  }
0x54: {  	_ =	swait.ge [sflag:s1], $0x2000  }
0x55: {  	[sflag:s1] =	ssyncset.done $0x0  }
0x56: {  	s24 =	simm.s32 $0x2900;
	[sflag:s1] =	ssyncadd.s32 $0xFFFFE000  }
0x57: {  	[spmem:s4] =	stream.indirect.scatter.add.f32 [tilespmem:s20], [sflag:$0x4], $0x40, s24, s19, $0xb8;
	[tilespmem:$0x1EF00] =	vst v63  }
0x58: {  	s29 =	simm.s32 $0x280  }
0x59: {  	[tilespmem:s25], [sflag:$0x3] =	stream.indirect.gather [spmem:s3], $0x40, s29, s19, $0xb8;
	[tilespmem:$0x1EF00] =	vst v63  }
0x5a: {  	_ =	swait.ge [sflag:s26], $0x2000  }
0x5b: {  	[sflag:s26] =	ssyncset.done $0x0  }
0x5c: {  	[sflag:s26] =	ssyncadd.s32 $0xFFFFE000  }
0x5d: {  	_ =	swait.ge [sflag:s28], $0x2000  }
0x5e: {  	[sflag:s28] =	ssyncset.done $0x0  }
0x5f: {  	s2 =	simm.s32 $0x2980;
	[sflag:s28] =	ssyncadd.s32 $0xFFFFE000  }
0x60: {  	[spmem:s4] =	stream.indirect.scatter.add.f32 [tilespmem:s21], [sflag:$0x5], $0x40, s2, s19, $0xb8;
	[tilespmem:$0x1EF00] =	vst v63  }
0x61: {  	s24 =	simm.s32 $0x300  }
0x62: {  	[tilespmem:s20], [sflag:$0x1] =	stream.indirect.gather [spmem:s3], $0x40, s24, s19, $0xb8;
	[tilespmem:$0x1EF00] =	vst v63  }
0x63: {  	_ =	swait.ge [sflag:s23], $0x2000  }
0x64: {  	[sflag:s23] =	ssyncset.done $0x0  }
0x65: {  	[sflag:s23] =	ssyncadd.s32 $0xFFFFE000  }
0x66: {  	_ =	swait.ge [sflag:s31], $0x2000  }
0x67: {  	s0 =	simm.s32 $0x6;
	s29 =	simm.s32 $0x2A00;
	[sflag:s31] =	ssyncset.done $0x0  }
0x68: {  	s2 =	simm.s32 $0x600;
	s24 =	simm.s32 $0x380;
	[sflag:s31] =	ssyncadd.s32 $0xFFFFE000  }
0x69: {  	[spmem:s4] =	stream.indirect.scatter.add.f32 [tilespmem:s25], [sflag:$0x6], $0x40, s29, s19, $0xb8;
	[tilespmem:$0x1EF00] =	vst v63  }
.LBB2_2:
0x6a: {  	[tilespmem:s21], [sflag:$0x2] =	stream.indirect.gather [spmem:s3], $0x40, s24, s19, $0xb8;
	[tilespmem:$0x1EF00] =	vst v63  }
0x6b: {  	s24 =	smov.u32 s2;
	s2 =	sadd.s32 $0x600, s2;
	_ =	swait.ge [sflag:s22], $0x2000  }
0x6c: {  	p1 =	sne.s32 s2, $0x9000;
	[sflag:s22] =	ssyncset.done $0x0  }
0x6d: {  	[sflag:s22] =	ssyncadd.s32 $0xFFFFE000  }
0x6e: {  	_ =	swait.ge [sflag:s1], $0x2000  }
0x6f: {  	s24 =	sshra.s32 s24, $0x2;
	[sflag:s1] =	ssyncset.done $0x0  }
0x70: {  	s29 =	sadd.s32 $0x2900, s24;
	[sflag:s1] =	ssyncadd.s32 $0xFFFFE000  }
0x71: {  	[spmem:s4] =	stream.indirect.scatter.add.f32 [tilespmem:s20], [sflag:$0x4], $0x40, s29, s19, $0xb8;
	[tilespmem:$0x1EF00] =	vst v63  }
0x72: {  	s29 =	sadd.s32 $0x280, s24  }
0x73: {  	[tilespmem:s25], [sflag:$0x3] =	stream.indirect.gather [spmem:s3], $0x40, s29, s19, $0xb8;
	[tilespmem:$0x1EF00] =	vst v63  }
0x74: {  	_ =	swait.ge [sflag:s26], $0x2000  }
0x75: {  	[sflag:s26] =	ssyncset.done $0x0  }
0x76: {  	[sflag:s26] =	ssyncadd.s32 $0xFFFFE000  }
0x77: {  	_ =	swait.ge [sflag:s28], $0x2000  }
0x78: {  	[sflag:s28] =	ssyncset.done $0x0  }
0x79: {  	s29 =	sadd.s32 $0x2980, s24;
	[sflag:s28] =	ssyncadd.s32 $0xFFFFE000  }
0x7a: {  	[spmem:s4] =	stream.indirect.scatter.add.f32 [tilespmem:s21], [sflag:$0x5], $0x40, s29, s19, $0xb8;
	[tilespmem:$0x1EF00] =	vst v63  }
0x7b: {  	s29 =	sadd.s32 $0x300, s24  }
0x7c: {  	[tilespmem:s20], [sflag:$0x1] =	stream.indirect.gather [spmem:s3], $0x40, s29, s19, $0xb8;
	[tilespmem:$0x1EF00] =	vst v63  }
0x7d: {  	_ =	swait.ge [sflag:s23], $0x2000  }
0x7e: {  	[sflag:s23] =	ssyncset.done $0x0  }
0x7f: {  	[sflag:s23] =	ssyncadd.s32 $0xFFFFE000  }
.Ltmp0:
0x80: {  	_ =	swait.ge [sflag:s31], $0x2000;
	(pc) =	sbr.rel @p1 .LBB2_2-.Ltmp0, $4  }
0x81: {  	[sflag:s31] =	ssyncset.done $0x0  }
0x82: {  	s29 =	sadd.s32 $0x2A00, s24;
	[sflag:s31] =	ssyncadd.s32 $0xFFFFE000  }
0x83: {  	[spmem:s4] =	stream.indirect.scatter.add.f32 [tilespmem:s25], [sflag:$0x6], $0x40, s29, s19, $0xb8;
	[tilespmem:$0x1EF00] =	vst v63  }
0x84: {  	s0 =	sadd.s32 $0x3, s0;
	s24 =	sadd.s32 $0x380, s24  }
0x85: {  	[tilespmem:s21], [sflag:$0x2] =	stream.indirect.gather [spmem:s3], $0x40, s24, s19, $0xb8;
	[tilespmem:$0x1EF00] =	vst v63  }
0x86: {  	_ =	swait.ge [sflag:s22], $0x2000  }
0x87: {  	[sflag:s22] =	ssyncset.done $0x0  }
0x88: {  	[sflag:s22] =	ssyncadd.s32 $0xFFFFE000  }
0x89: {  	_ =	swait.ge [sflag:s1], $0x2000  }
0x8a: {  	s2 =	sshra.s32 s2, $0x2;
	[sflag:s1] =	ssyncset.done $0x0  }
0x8b: {  	s29 =	sadd.s32 $0x2900, s2;
	[sflag:s1] =	ssyncadd.s32 $0xFFFFE000  }
0x8c: {  	[spmem:s4] =	stream.indirect.scatter.add.f32 [tilespmem:s20], [sflag:$0x4], $0x40, s29, s19, $0xb8;
	[tilespmem:$0x1EF00] =	vst v63  }
0x8d: {  	s29 =	simm.s32 $0x2680  }
0x8e: {  	[tilespmem:s25], [sflag:$0x3] =	stream.indirect.gather [spmem:s3], $0x40, s29, s19, $0xb8;
	[tilespmem:$0x1EF00] =	vst v63  }
0x8f: {  	_ =	swait.ge [sflag:s26], $0x2000  }
0x90: {  	[sflag:s26] =	ssyncset.done $0x0  }
0x91: {  	[sflag:s26] =	ssyncadd.s32 $0xFFFFE000  }
0x92: {  	_ =	swait.ge [sflag:s28], $0x2000  }
0x93: {  	[sflag:s28] =	ssyncset.done $0x0  }
0x94: {  	p1 =	sge.u32 s0, s10;
	s2 =	sadd.s32 $0x2980, s2;
	[sflag:s28] =	ssyncadd.s32 $0xFFFFE000  }
0x95: {  	[spmem:s4] =	stream.indirect.scatter.add.f32 [tilespmem:s21], [sflag:$0x5], $0x40, s2, s19, $0xb8;
	[tilespmem:$0x1EF00] =	vst v63  }
0x96: {  	s0 =	simm.s32 @!p1 $0x80;
	s24 =	simm.s32 @!p1 $0x4F00;
	s2 =	simm.s32 @!p1 $0x2700  }
0x97: {  	[tilespmem:s24], [sflag:$0x1] =	stream.indirect.gather @!p1 [spmem:s3], $0x40, s2, s0, $0xb8;
	[tilespmem:$0x1EF00] =	vst v63  }
0x98: {  	_ =	swait.ge [sflag:s23], $0x2000  }
0x99: {  	[sflag:s23] =	ssyncset.done $0x0  }
0x9a: {  	[sflag:s23] =	ssyncadd.s32 $0xFFFFE000  }
0x9b: {  	_ =	swait.ge [sflag:s31], $0x2000  }
0x9c: {  	[sflag:s31] =	ssyncset.done $0x0  }
0x9d: {  	s29 =	simm.s32 $0x4E00;
	[sflag:s31] =	ssyncadd.s32 $0xFFFFE000  }
0x9e: {  	[spmem:s4] =	stream.indirect.scatter.add.f32 [tilespmem:s25], [sflag:$0x6], $0x40, s29, s19, $0xb8;
	[tilespmem:$0x1EF00] =	vst v63  }
0x9f: {  	_ =	swait.ge [sflag:s1], $0x2000  }
0xa0: {  	[sflag:s1] =	ssyncset.done $0x0  }
0xa1: {  	s0 =	simm.s32 @!p0 $0x1;
	[sflag:s1] =	ssyncadd.s32 $0xFFFFE000  }
0xa2: {  	_ =	swait.ge @!p0 [sflag:s0], $0x2000  }
0xa3: {  	s2 =	simm.s32 @!p0 $0x4E80;
	[sflag:s0] =	ssyncset.done @!p0 $0x0  }
0xa4: {  	s24 =	simm.s32 @!p0 $0x4F00;
	[sflag:s0] =	ssyncadd.s32 @!p0 $0xFFFFE000;
	s0 =	simm.s32 @!p0 $0x80  }
0xa5: {  	[spmem:s4] =	stream.indirect.scatter.add.f32 @!p0 [tilespmem:s24], [sflag:$0x7], $0x40, s2, s0, $0xb8;
	[tilespmem:$0x1EF00] =	vst v63  }
0xa6: {  	s0 =	simm.s32 @!p0 $0x7  }
0xa7: {  	_ =	swait.ge @!p0 [sflag:s0], $0x2000  }
0xa8: {  	s30 =	sadd.s32 $0x1, s30;
	[sflag:s0] =	ssyncset.done @!p0 $0x0  }
0xa9: {  	p1 =	sne.s32 s30, s11;
	[sflag:s0] =	ssyncadd.s32 @!p0 $0xFFFFE000  }
.Ltmp1:
0xaa: {  	[bflag:$0x0] =	sbarrier.arrive $0xFFFF;
	(pc) =	sbr.rel @p1 .LBB2_1-.Ltmp1, $4  }
0xab: {  	[hbm:s9], [sflag:s16] =	dma.local [spmem:s18], $0x1400  }
0xac: {  	_ =	swait.ge [sflag:s12], $0x1400  }
0xad: {  	[sflag:s12] =	ssyncset.done $0x0  }
0xae: {  	[sflag:s12] =	ssyncadd.s32 $0xFFFFEC00  }
0xaf: {  	_ =	sfence.sel $0x180000  }
0xb0: {  	[bflag:$0x0] =	sbarrier.arrive $0xFFFF  }
0xb1: {  	_ =	strace $0x9000004A  }
0xb2: {  	s0 =	stileid.u32;
	[bflag:$0x2] =	sbarrier.arrive $0xFFFF  }
0xb3: {  	p0 =	sne.s32 s0, $0x0;
	s0 =	rddreg [dreg:$0x4]  }
0xb4: {  	s0 =	sadd.s32 @!p0 $0x100000, s0  }
0xb5: {  	[sflag:s0] =	ssyncadd.tile.s32 @!p0 $0x1;
	_ =	shalt  }
.Lfunc_end2:
_tile_overlayer_lowered:
.L_overlay_start_2:
0xb6: {  	(tag) =	ssettag $0x2  }
0xb7: {  	s0 =	rddreg [dreg:$0x0];
	s2 =	stileid.u32  }
0xb8: {  	s1 =	rddreg [dreg:$0x1];
	p0 =	sne.s32 s2, $0x0  }
0xb9: {  	s3 =	rddreg [dreg:$0x2];
	[bflag:$0x3] =	sbarrier.arrive $0xFFFF;
	s2 =	simm.s32 @!p0 $0x1C07  }
0xba: {  	[timem:s3], [sflag:s2] =	dma.local @!p0 [hbm:s0], s1  }
0xbb: {  	s0 =	simm.s32 @!p0 $0x7  }
0xbc: {  	_ =	swait.ge @!p0 [sflag:s0], s1  }
0xbd: {  	s1 =	ssub.s32 @!p0 $0x0, s1;
	[sflag:s0] =	ssyncset.done @!p0 $0x0  }
0xbe: {  	[sflag:s0] =	ssyncadd.s32 @!p0 s1  }
0xbf: {  	[bflag:$0x3] =	sbarrier.arrive $0xFFFF  }
0xc0: {  	_ =	shalt  }

// kernel: kernel.7.cloned.1.call-start
scs
__scs_entry_jumppad:
0x0: {  	(pc) =	sbr.rel $0x88, $3  }
0x1: {  	(tag) =	ssettag $0x0;
	lr =	simm.s32 $0x1  }
0x2: {  	[smem:$0x3F97] =	sst lr;
	_ =	strace $0xD0000000  }
0x3: {  	_ = 	snop  }
0x4: {  	_ = 	snop  }
0x5: {  	_ = 	snop  }
0x6: {  	_ = 	snop  }
0x7: {  	_ = 	snop  }
__scs_overlays_trampoline_lowered:
0x8: {  	[smem:$0x3FA6] =	sst s0  }
0x9: {  	[smem:$0x3FA7] =	sst s1  }
0xa: {  	[smem:$0x3FA8] =	sst s2  }
0xb: {  	[smem:$0x3FA9] =	sst s3  }
0xc: {  	[smem:$0x3FAA] =	sst s4  }
0xd: {  	[smem:$0x3FAB] =	sst s5  }
0xe: {  	[smem:$0x3FAC] =	sst s6  }
0xf: {  	[smem:$0x3FAD] =	sst s7  }
0x10: {  	[smem:$0x3FAE] =	sst s8  }
0x11: {  	[smem:$0x3FAF] =	sst s9;
	s0 =	simm.s32 @!p0 $0x0  }
0x12: {  	s1 =	sld [smem:$0x3F95];
	s0 =	simm.s32 @p0 $0x1  }
0x13: {  	[smem:$0x3FB0] =	sst s0;
	s0 =	simm.s32 @!p1 $0x0  }
0x14: {  	s2 =	sld [smem:$0x3F94];
	s0 =	simm.s32 @p1 $0x1  }
0x15: {  	[smem:$0x3FB1] =	sst s0;
	s0 =	simm.s32 @!p2 $0x0  }
0x16: {  	s3 =	sld [smem:$0x3FDB];
	s0 =	simm.s32 @p2 $0x1  }
0x17: {  	s4 =	simm.s32 $0x1BF5;
	[smem:$0x3FB3] =	sst s0  }
0x18: {  	s0 =	sld [smem:$0x3F96];
	_ =	swait.ge [sflag:s4], $0x0  }
0x19: {  	s7 =	sld [smem:$0x3F97]  }
0x1a: {  	s8 =	sadd.s32 $0xFFFFE003, lr  }
0x1b: {  	s9 =	sadd.s32 $0xFFFFFEF7, lr;
	s5 =	simm.s32 $0xFFFFFFFF;
	p2 =	slt.u32 s8, $0xFFFFF086  }
0x1c: {  	p1 =	slt.u32 s9, $0xF7A;
	s5 =	simm.s32 @!p2 $0x0  }
0x1d: {  	s5 =	simm.s32 @p1 $0x1;
	p0 =	seq.s32 s7, s2  }
0x1e: {  	s7 =	smul.u32 @!p0 $0xF7A, s2;
	p2 =	seq.s32 @!p0 s5, $0x0  }
0x1f: {  	s9 =	smul.u32 $0xF7A, s1;
	s8 =	simm.s32 @!p0 $0x1BF5;
	p2 =	por !p2, p0  }
0x20: {  	[sflag:s8] =	ssyncset.s32 @!p0 $0xFFFFF086;
	s6 =	sadd.s32 @!p0 s3, s7;
	s7 =	simm.s32 @!p0 $0x108  }
0x21: {  	s3 =	sadd.s32 s3, s9;
	s6 =	sadd.s32 @!p0 $0x88, s6;
	s7 =	simm.s32 @p2 $0x1082  }
0x22: {  	[simem:s7], [sflag:s8] =	dma.local @!p0 [hbm:s6], $0xF7A  }
0x23: {  	s9 =	sor.u32 $0xD0000000, s2;
	s6 =	simm.s32 $0x108;
	_ =	swait.ge @!p0 [sflag:s8], $0x0  }
0x24: {  	s3 =	sadd.s32 $0x88, s3;
	s6 =	simm.s32 @!p1 $0x1082;
	[sflag:s4] =	ssyncset.s32 $0xFFFFF086  }
0x25: {  	[simem:s6], [sflag:s4] =	dma.local [hbm:s3], $0xF7A  }
0x26: {  	[smem:$0x3F97] =	sst s1;
	(tag) =	ssettag s2;
	_ =	strace s9  }
0x27: {  	s1 =	sld [smem:$0x3FA7]  }
0x28: {  	s2 =	sld [smem:$0x3FA8]  }
0x29: {  	s4 =	sld [smem:$0x3FAA]  }
0x2a: {  	p0 =	seq.s32 s5, $0x0;
	s5 =	sld [smem:$0x3FAB]  }
0x2b: {  	s6 =	sld [smem:$0x3FAC]  }
0x2c: {  	s7 =	sld [smem:$0x3FAD]  }
0x2d: {  	s3 =	simm.s32 $0x108;
	s8 =	sld [smem:$0x3FAE]  }
0x2e: {  	s3 =	simm.s32 @!p0 $0x1082;
	s9 =	sld [smem:$0x3FAF]  }
0x2f: {  	lr =	sadd.s32 s0, s3;
	s0 =	sld [smem:$0x3FA6]  }
0x30: {  	s3 =	sld [smem:$0x3FA9]  }
0x31: {  	[smem:$0x3FB2] =	sst s10  }
0x32: {  	s10 =	sld [smem:$0x3FB0];
	_ =	sdelay $0x3  }
0x33: {  	p0 =	seq.s32 s10, $0x1;
	s10 =	sld [smem:$0x3FB2];
	_ =	sdelay $0x3  }
0x34: {  	[smem:$0x3FB2] =	sst s10  }
0x35: {  	s10 =	sld [smem:$0x3FB1];
	_ =	sdelay $0x3  }
0x36: {  	p1 =	seq.s32 s10, $0x1;
	s10 =	sld [smem:$0x3FB2];
	_ =	sdelay $0x3  }
0x37: {  	[smem:$0x3FB2] =	sst s10  }
0x38: {  	s10 =	sld [smem:$0x3FB3]  }
0x39: {  	_ = 	snop;
	(pc) =	sbr.ind lr, $3  }
0x3a: {  	_ = 	snop  }
0x3b: {  	_ = 	snop  }
0x3c: {  	p2 =	seq.s32 s10, $0x1;
	s10 =	sld [smem:$0x3FB2]  }
0x3d: {  	_ =	shalt  }
0x3e: {  	_ =	shalt  }
0x3f: {  	_ =	shalt  }
0x40: {  	_ =	shalt  }
0x41: {  	_ =	shalt  }
0x42: {  	_ =	shalt  }
0x43: {  	_ =	shalt  }
0x44: {  	_ =	shalt  }
0x45: {  	_ =	shalt  }
0x46: {  	_ =	shalt  }
0x47: {  	_ =	shalt  }
0x48: {  	_ =	shalt  }
0x49: {  	_ =	shalt  }
0x4a: {  	_ =	shalt  }
0x4b: {  	_ =	shalt  }
0x4c: {  	_ =	shalt  }
0x4d: {  	_ =	shalt  }
0x4e: {  	_ =	shalt  }
0x4f: {  	_ =	shalt  }
0x50: {  	_ =	shalt  }
0x51: {  	_ =	shalt  }
0x52: {  	_ =	shalt  }
0x53: {  	_ =	shalt  }
0x54: {  	_ =	shalt  }
0x55: {  	_ =	shalt  }
0x56: {  	_ =	shalt  }
0x57: {  	_ =	shalt  }
0x58: {  	_ =	shalt  }
0x59: {  	_ =	shalt  }
0x5a: {  	_ =	shalt  }
0x5b: {  	_ =	shalt  }
0x5c: {  	_ =	shalt  }
0x5d: {  	_ =	shalt  }
0x5e: {  	_ =	shalt  }
0x5f: {  	_ =	shalt  }
0x60: {  	_ =	shalt  }
0x61: {  	_ =	shalt  }
0x62: {  	_ =	shalt  }
0x63: {  	_ =	shalt  }
0x64: {  	_ =	shalt  }
0x65: {  	_ =	shalt  }
0x66: {  	_ =	shalt  }
0x67: {  	_ =	shalt  }
0x68: {  	_ =	shalt  }
0x69: {  	_ =	shalt  }
0x6a: {  	_ =	shalt  }
0x6b: {  	_ =	shalt  }
0x6c: {  	_ =	shalt  }
0x6d: {  	_ =	shalt  }
0x6e: {  	_ =	shalt  }
0x6f: {  	_ =	shalt  }
0x70: {  	_ =	shalt  }
0x71: {  	_ =	shalt  }
0x72: {  	_ =	shalt  }
0x73: {  	_ =	shalt  }
0x74: {  	_ =	shalt  }
0x75: {  	_ =	shalt  }
0x76: {  	_ =	shalt  }
0x77: {  	_ =	shalt  }
0x78: {  	_ =	shalt  }
0x79: {  	_ =	shalt  }
0x7a: {  	_ =	shalt  }
0x7b: {  	_ =	shalt  }
0x7c: {  	_ =	shalt  }
0x7d: {  	_ =	shalt  }
0x7e: {  	_ =	shalt  }
0x7f: {  	_ =	shalt  }
0x80: {  	_ =	shalt  }
0x81: {  	_ =	shalt  }
0x82: {  	_ =	shalt  }
0x83: {  	_ =	shalt  }
0x84: {  	_ =	shalt  }
0x85: {  	_ =	shalt  }
0x86: {  	_ =	shalt  }
0x87: {  	_ =	shalt  }
.Lfunc_end0:
.L_simem_size_0:
called_computation_lowered:
.L_overlay_start_0:
0x88: {  	s2 =	sld [smem:$0x3FD9]  }
0x89: {  	s3 =	sld [smem:$0x3FFE];
	_ =	sdelay $0x1  }
0x8a: {  	s1 =	srdreg.scid  }
0x8b: {  	s0 =	sand.u32 $0x1, s1  }
0x8c: {  	s14 =	sshll.u32 s0, $0xA;
	s2 =	sadd.s32 s3, s2  }
0x8d: {  	s2 =	sadd.s32 s2, s14  }
0x8e: {  	[smem:$0x3FBE] =	sst s2  }
0x8f: {  	_ = 	snop  }
0x90: {  	s2 =	sld [smem:$0x3FD0];
	_ =	sdelay $0x2  }
0x91: {  	s15 =	simm.s32 $0xA;
	s4 =	simm.s32 $0x10  }
0x92: {  	[smem:s4], [sflag:s15] =	dma.local [hbm:s2], $0x1  }
0x93: {  	_ =	swait.eq [sflag:s15], $0x1  }
0x94: {  	s16 =	sld [smem:$0x10];
	[sflag:s15] =	ssyncset.done $0x0  }
0x95: {  	s17 =	sld [smem:$0x11];
	[sflag:s15] =	ssyncadd.s32 $0xFFFFFFFF  }
0x96: {  	s18 =	sld [smem:$0x13];
	(tm) =	ssettm $0x1  }
0x97: {  	s5 =	sld [smem:$0x3FFB];
	_ =	sdelay $0x3  }
0x98: {  	_ =	strace s5  }
0x99: {  	s5 =	sld [smem:$0x3FFC];
	_ =	sdelay $0x3  }
0x9a: {  	_ =	strace s5  }
0x9b: {  	s5 =	sld [smem:$0x3FFD];
	_ =	sdelay $0x3  }
0x9c: {  	_ =	strace s5  }
0x9d: {  	_ =	strace $0x8FFFFFFF  }
0x9e: {  	s19 =	sld [smem:$0x3FDB];
	_ =	sdelay $0x1  }
0x9f: {  	s6 =	simm.s32 $_scs_section_size  }
0xa0: {  	s7 =	simm.s32 $_size__tile_overlayer_lowered;
	s8 =	simm.s32 $_tile_overlayer_lowered  }
0xa1: {  	s22 =	simm.s32 $0x1BFF;
	s21 =	sshll.u32 s8, $0x1;
	s5 =	sadd.s32 s6, s19  }
0xa2: {  	s9 =	simm.s32 $0x0;
	s20 =	sshll.u32 s7, $0x1;
	s7 =	sadd.s32 s21, s5  }
0xa3: {  	[timem:s9], [sflag:s22] =	dma.local [hbm:s7], s20  }
0xa4: {  	_ =	swait.ge [sflag:s22], s20  }
0xa5: {  	s6 =	ssub.s32 $0x0, s20;
	[sflag:s22] =	ssyncset.done $0x0  }
0xa6: {  	[sflag:s22] =	ssyncadd.s32 s6;
	_ =	sdelay $0x1  }
0xa7: {  	s23 =	simm.s32 $0x1B8B  }
0xa8: {  	_ =	swait.ge [sflag:s23], $0x1  }
0xa9: {  	[sflag:s23] =	ssyncset.done $0x0  }
0xaa: {  	s25 =	simm.s32 $0x1B8E;
	s24 =	sld [smem:$0x3FFE];
	[sflag:s23] =	ssyncadd.s32 $0xFFFFFFFF  }
0xab: {  	s26 =	simm.s32 $execute0_lowered;
	[smem:$0x3FD2] =	sst s25  }
0xac: {  	s7 =	sshll.u32 s26, $0x1;
	_ =	strace $0x80000046;
	[dreg:$0x1] =	wrdreg $0xFFFFFFFF  }
0xad: {  	s28 =	simm.s32 $_size_execute0_lowered;
	s5 =	sadd.s32 s5, s7;
	[dreg:$0x0] =	wrdreg $0x0  }
0xae: {  	s7 =	sshll.u32 s28, $0x1;
	[dreg:$0x2] =	wrdreg s5  }
0xaf: {  	[dreg:$0x3] =	wrdreg s7  }
0xb0: {  	[dreg:$0x4] =	wrdreg $0xC0  }
0xb1: {  	_ =	task [dreg:s9], $0x5FFFF  }
0xb2: {  	[dreg:$0x1] =	wrdreg $0xFFFFFFFF  }
0xb3: {  	[dreg:$0x0] =	wrdreg $0x60  }
0xb4: {  	[dreg:$0x2] =	wrdreg s24  }
0xb5: {  	[dreg:$0x3] =	wrdreg s17  }
0xb6: {  	[dreg:$0x4] =	wrdreg s16  }
0xb7: {  	[dreg:$0x5] =	wrdreg s18  }
0xb8: {  	[dreg:$0x6] =	wrdreg $0x2B800  }
0xb9: {  	[dreg:$0x7] =	wrdreg $0x9  }
0xba: {  	_ =	task.clear_ibuf [dreg:s9], $0x8FFFF;
	_ =	strace $0x90000046  }
0xbb: {  	s29 =	simm.s32 $0x9;
	_ =	strace $0x80000048  }
0xbc: {  	_ =	swait.ge [sflag:s29], $0x1  }
0xbd: {  	[sflag:s29] =	ssyncadd.s32 $0xFFFFFFFF  }
0xbe: {  	_ =	strace $0x90000048  }
0xbf: {  	_ =	sfence  }
0xc0: {  	s30 =	sld [smem:$0x0];
	_ =	sdelay $0x2  }
0xc1: {  	s31 =	sshll.u32 s1, $0xD;
	s1 =	sshrl.u32 s1, $0x2  }
0xc2: {  	s3 =	sand.u32 $0x4000, s31;
	s1 =	sadd.s32 s1, s30  }
0xc3: {  	s0 =	sor.u32 s3, s0;
	s1 =	sshll.u32 s1, $0x11  }
0xc4: {  	s0 =	sor.u32 s1, s0  }
0xc5: {  	s0 =	sadd.s32 $0x8F2B, s0  }
0xc6: {  	[sflag:s0] =	ssyncadd.remote.s32 $0x1  }
0xc7: {  	_ =	sfence.sel $0xFFFF  }
0xc8: {  	[dreg:$0x0] =	wrdreg $0xFFFFFFFF;
	(pc) =	sbr.abs _section_cstart, $3  }
0xc9: {  	[dreg:$0x1] =	wrdreg $0xFFFFFFFF  }
0xca: {  	_ =	task.clear_ibuf [dreg:s9], $0x2FFFF;
	_ =	strace $0x9FFFFFFF  }
0xcb: {  	(tm) =	ssettm $0x7FFFFFFF  }
tec
execute0_lowered:
.L_overlay_start_1:
0x0: {  	(tag) =	ssettag $0x1  }
0x1: {  	s6 =	rddreg [dreg:$0x0]  }
0x2: {  	s0 =	rddreg [dreg:$0x1]  }
0x3: {  	s2 =	rddreg [dreg:$0x2]  }
0x4: {  	s9 =	rddreg [dreg:$0x3]  }
0x5: {  	s1 =	srdreg.scid;
	s4 =	rddreg [dreg:$0x4]  }
0x6: {  	s5 =	simm.s32 $0x0;
	s15 =	simm.s32 $0x80;
	s16 =	simm.s32 $0x100  }
0x7: {  	s17 =	simm.s32 $0x180;
	s18 =	simm.s32 $0x1;
	s19 =	simm.s32 $0x0  }
0x8: {  	s7 =	sand.u32 $0x1, s1;
	s1 =	stileid.u32;
	[smem:$0x7FF] =	sst s5  }
0x9: {  	s3 =	sshll.u32 s7, $0x4;
	s29 =	ssub.s32 $0x2, s7;
	s12 =	smul.u32 $0x1400, s1  }
0xa: {  	s7 =	smul.u32 $0x14000, s7;
	s31 =	sshll.u32 s1, $0x6;
	s11 =	sor.u32 s1, s3  }
0xb: {  	s3 =	rddreg [dreg:$0x5];
	s13 =	sshrl.u32 s29, $0x1;
	_ =	strace $0x80000047  }
0xc: {  	s8 =	smul.u32 $0x4E, s11;
	s10 =	smin.u32 s11, $0x4;
	p0 =	slt.u32 s11, $0x4  }
0xd: {  	s30 =	sadd.s32 s12, s7;
	s14 =	sadd.s32 s12, s4;
	s12 =	simm.s32 $0x2780  }
0xe: {  	s8 =	sadd.s32 s10, s8;
	s10 =	ssub.s32 s29, s13;
	s13 =	sshrl.u32 s30, $0x3  }
0xf: {  	s14 =	sshrl.u32 s14, $0x3;
	s8 =	sshll.u32 s8, $0x4;
	s9 =	sadd.s32 s9, s13  }
0x10: {  	s10 =	smax.u32 s10, $0x1;
	s8 =	sadd.s32 s8, s6;
	s6 =	simm.s32 $0x4B  }
0x11: {  	s13 =	sor.u32 $0x1C02, s31;
	s6 =	simm.s32 @!p0 $0x4A;
	s7 =	sadd.s32 $0xC840, s8  }
0x12: {  	s8 =	sadd.s32 $0xCD20, s8;
	p0 =	sgt.u32 s11, $0x3;
	s11 =	simm.s32 $0x2  }
.LBB2_1:
0x13: {  	[tilespmem:s5], [sflag:$0x2] =	stream.linear.gather [hbm4b:s7+s5], $0x2700, $0x38;
	[tilespmem:$0x3F80] =	vst v63  }
0x14: {  	_ =	swait.ge [sflag:s11], $0x2700  }
0x15: {  	[sflag:s11] =	ssyncset.done $0x0  }
0x16: {  	s20 =	simm.s32 @!p0 $0x0;
	s21 =	simm.s32 @!p0 $0x2700;
	[sflag:s11] =	ssyncadd.s32 $0xFFFFD900  }
0x17: {  	[tilespmem:s21], [sflag:$0x2] =	stream.linear.gather @!p0 [hbm4b:s8+s20], $0x80, $0x38;
	[tilespmem:$0x3F80] =	vst v63  }
0x18: {  	s20 =	simm.s32 @!p0 $0x2  }
0x19: {  	_ =	swait.ge @!p0 [sflag:s20], $0x80  }
0x1a: {  	[sflag:s20] =	ssyncset.done @!p0 $0x0  }
0x1b: {  	[sflag:s20] =	ssyncadd.s32 @!p0 $0xFFFFFF80  }
0x1c: {  	[tilespmem:s12], [sflag:$0x2] =	stream.linear.gather [hbm4b:s2+s5], $0x400, $0x38;
	[tilespmem:$0x3F80] =	vst v63  }
0x1d: {  	_ =	swait.ge [sflag:s11], $0x400  }
0x1e: {  	[sflag:s11] =	ssyncset.done $0x0  }
0x1f: {  	[sflag:s11] =	ssyncadd.s32 $0xFFFFFC00  }
0x20: {  	[spmem:s14], [sflag:s13] =	dma.local [hbm:s0], $0x280  }
0x21: {  	_ =	swait.ge [sflag:s11], $0x280  }
0x22: {  	[sflag:s11] =	ssyncset.done $0x0  }
0x23: {  	[sflag:s11] =	ssyncadd.s32 $0xFFFFFD80  }
0x24: {  	[bflag:$0x0] =	sbarrier.arrive $0xFFFF  }
0x25: {  	[spmem:s4] =	stream.indirect.scatter.add.f32 [tilespmem:s12], [sflag:$0x1], $0x8, s5, s15, $0xb8;
	[tilespmem:$0x3F80] =	vst v63  }
0x26: {  	_ = 	snop  }
0x27: {  	[spmem:s4] =	stream.indirect.scatter.add.f32 [tilespmem:s12], [sflag:$0x1], $0x8, s15, s15, $0xb8;
	[tilespmem:$0x3F80] =	vst v63  }
0x28: {  	_ = 	snop  }
0x29: {  	[spmem:s4] =	stream.indirect.scatter.add.f32 [tilespmem:s12], [sflag:$0x1], $0x8, s16, s15, $0xb8;
	[tilespmem:$0x3F80] =	vst v63  }
0x2a: {  	p1 =	sne.s32 s6, $0x1  }
0x2b: {  	[spmem:s4] =	stream.indirect.scatter.add.f32 [tilespmem:s12], [sflag:$0x1], $0x8, s17, s15, $0xb8;
	[tilespmem:$0x3F80] =	vst v63  }
.Ltmp0:
0x2c: {  	_ = 	snop;
	(pc) =	sbr.rel @!p1 .LBB2_3-.Ltmp0, $4  }
0x2d: {  	s20 =	simm.s32 $0x200  }
0x2e: {  	[spmem:s4] =	stream.indirect.scatter.add.f32 [tilespmem:s12], [sflag:$0x1], $0x8, s20, s15, $0xb8;
	[tilespmem:$0x3F80] =	vst v63  }
0x2f: {  	_ =	swait.ge [sflag:s18], $0x400  }
0x30: {  	s21 =	sadd.s32 $0xFFFFFFFF, s6;
	[sflag:s18] =	ssyncset.done $0x0  }
.LBB2_2:
0x31: {  	p1 =	sne.s32 s21, $0x1;
	[sflag:s18] =	ssyncadd.s32 $0xFFFFFC00;
	s20 =	sadd.s32 $0x80, s20  }
.Ltmp1:
0x32: {  	s21 =	sadd.s32 $0xFFFFFFFF, s21;
	(pc) =	sbr.rel @p1 .LBB2_2-.Ltmp1, $4  }
0x33: {  	_ = 	snop  }
0x34: {  	[spmem:s4] =	stream.indirect.scatter.add.f32 [tilespmem:s12], [sflag:$0x1], $0x8, s20, s15, $0xb8;
	[tilespmem:$0x3F80] =	vst v63  }
0x35: {  	_ =	swait.ge [sflag:s18], $0x400  }
0x36: {  	[sflag:s18] =	ssyncset.done $0x0  }
.LBB2_3:
0x37: {  	[sflag:s18] =	ssyncadd.s32 $0xFFFFFC00  }
0x38: {  	_ =	swait.ge [sflag:s18], $0x400  }
0x39: {  	[sflag:s18] =	ssyncset.done $0x0  }
0x3a: {  	[sflag:s18] =	ssyncadd.s32 $0xFFFFFC00  }
0x3b: {  	_ =	swait.ge [sflag:s18], $0x400  }
0x3c: {  	[sflag:s18] =	ssyncset.done $0x0  }
0x3d: {  	[sflag:s18] =	ssyncadd.s32 $0xFFFFFC00  }
0x3e: {  	_ =	swait.ge [sflag:s18], $0x400  }
0x3f: {  	[sflag:s18] =	ssyncset.done $0x0  }
0x40: {  	[sflag:s18] =	ssyncadd.s32 $0xFFFFFC00  }
0x41: {  	_ =	swait.ge [sflag:s18], $0x400  }
0x42: {  	s19 =	sadd.s32 $0x1, s19;
	[sflag:s18] =	ssyncset.done $0x0  }
0x43: {  	p1 =	sne.s32 s19, s10;
	[sflag:s18] =	ssyncadd.s32 $0xFFFFFC00  }
.Ltmp2:
0x44: {  	[bflag:$0x0] =	sbarrier.arrive $0xFFFF;
	(pc) =	sbr.rel @p1 .LBB2_1-.Ltmp2, $4  }
0x45: {  	[hbm:s9], [sflag:s13] =	dma.local [spmem:s14], $0x280  }
0x46: {  	_ =	swait.ge [sflag:s11], $0x280  }
0x47: {  	[sflag:s11] =	ssyncset.done $0x0  }
0x48: {  	[sflag:s11] =	ssyncadd.s32 $0xFFFFFD80  }
0x49: {  	_ =	sfence.sel $0x180000  }
0x4a: {  	[bflag:$0x0] =	sbarrier.arrive $0xFFFF  }
0x4b: {  	p0 =	sne.s32 s1, $0x0;
	_ =	strace $0x90000047  }
0x4c: {  	s0 =	sadd.s32 @!p0 $0x100000, s3;
	[bflag:$0x2] =	sbarrier.arrive $0xFFFF  }
0x4d: {  	[sflag:s0] =	ssyncadd.tile.s32 @!p0 $0x1;
	_ =	shalt  }
.Lfunc_end2:
_tile_overlayer_lowered:
.L_overlay_start_2:
0x4e: {  	(tag) =	ssettag $0x2  }
0x4f: {  	s0 =	rddreg [dreg:$0x0];
	s2 =	stileid.u32  }
0x50: {  	s1 =	rddreg [dreg:$0x1];
	p0 =	sne.s32 s2, $0x0  }
0x51: {  	s3 =	rddreg [dreg:$0x2];
	[bflag:$0x3] =	sbarrier.arrive $0xFFFF;
	s2 =	simm.s32 @!p0 $0x1C02  }
0x52: {  	[timem:s3], [sflag:s2] =	dma.local @!p0 [hbm:s0], s1  }
0x53: {  	s0 =	simm.s32 @!p0 $0x2  }
0x54: {  	_ =	swait.ge @!p0 [sflag:s0], s1  }
0x55: {  	s1 =	ssub.s32 @!p0 $0x0, s1;
	[sflag:s0] =	ssyncset.done @!p0 $0x0  }
0x56: {  	[sflag:s0] =	ssyncadd.s32 @!p0 s1  }
0x57: {  	[bflag:$0x3] =	sbarrier.arrive $0xFFFF  }
0x58: {  	_ =	shalt  }

</sc_bundles>
